<compile_context>
chip_gen: v7x
topology: tpu7x:2x2x1
jax: 0.10.2.dev20260603
libtpu: 0.0.44.dev20260713+nightly
codegen_flags: <defaults>
</compile_context>

<pallas_src>
import functools

import jax
import jax.numpy as jnp
from jax import lax
from jax.experimental import pallas as pl
from jax.experimental.pallas import tpu as pltpu
from jax.experimental.pallas import tpu_sc as plsc

N = 10000
E = 320000
D_IN = 128
D_OUT = 64
D_HID = 2 * D_OUT

NC = 2
NS = 16
NW = NC * NS
EPW = E // NW
CH = 80
NCH = EPW // CH

RPT = 624
TAIL0 = NS * RPT
TAILN = N - TAIL0

BN = 1000
GRID = N // BN


@functools.cache
def _sc_kernels():
    mesh = plsc.VectorSubcoreMesh(core_axis_name="c", subcore_axis_name="s")

    @functools.partial(
        pl.kernel,
        mesh=mesh,
        out_type=jax.ShapeDtypeStruct((NC, N, D_IN), jnp.float32),
        scratch_types=[
            pltpu.VMEM((CH,), jnp.int32),
            pltpu.VMEM((CH,), jnp.int32),
            pltpu.VMEM((CH, D_IN), jnp.float32),
            pltpu.VMEM_SHARED((N, D_IN), jnp.float32),
            pltpu.SemaphoreType.DMA,
            pltpu.SemaphoreType.DMA,
        ],
    )
    def sc_degree(dst_hbm, ones_hbm, out_hbm, di0, di1, ones_v, acc, is0, is1):
        cid = lax.axis_index("c")
        sid = lax.axis_index("s")
        wid = cid * NS + sid
        pltpu.sync_copy(ones_hbm.at[pl.ds(sid * RPT, RPT)], acc.at[pl.ds(sid * RPT, RPT)])

        @pl.when(sid == NS - 1)
        def _():
            pltpu.sync_copy(ones_hbm.at[pl.ds(TAIL0, TAILN)], acc.at[pl.ds(TAIL0, TAILN)])

        pltpu.sync_copy(ones_hbm.at[pl.ds(0, CH)], ones_v)
        plsc.subcore_barrier()

        def i_start(j, di, sem):
            pltpu.make_async_copy(dst_hbm.at[wid, j, 0], di, sem).start()

        def i_wait(j, di, sem):
            pltpu.make_async_copy(dst_hbm.at[wid, j, 0], di, sem).wait()

        i_start(0, di0, is0)
        i_start(1, di1, is1)

        def body(jj, carry):
            j = 2 * jj
            i_wait(j, di0, is0)
            pltpu.sync_copy(ones_v, acc.at[di0], add=True)

            @pl.when(j + 2 < NCH)
            def _():
                i_start(j + 2, di0, is0)

            i_wait(j + 1, di1, is1)
            pltpu.sync_copy(ones_v, acc.at[di1], add=True)

            @pl.when(j + 3 < NCH)
            def _():
                i_start(j + 3, di1, is1)

            return carry

        lax.fori_loop(0, NCH // 2, body, 0)
        i_wait(NCH - 1, di0, is0)
        pltpu.sync_copy(ones_v, acc.at[di0], add=True)
        plsc.subcore_barrier()
        pltpu.sync_copy(acc.at[pl.ds(sid * RPT, RPT)], out_hbm.at[cid, pl.ds(sid * RPT, RPT)])

        @pl.when(sid == NS - 1)
        def _():
            pltpu.sync_copy(acc.at[pl.ds(TAIL0, TAILN)], out_hbm.at[cid, pl.ds(TAIL0, TAILN)])

    @functools.partial(
        pl.kernel,
        mesh=mesh,
        out_type=jax.ShapeDtypeStruct((NC, N, D_IN), jnp.float32),
        scratch_types=[
            pltpu.VMEM((CH,), jnp.int32),
            pltpu.VMEM((CH,), jnp.int32),
            pltpu.VMEM((CH,), jnp.int32),
            pltpu.VMEM((CH,), jnp.int32),
            pltpu.VMEM((CH, D_IN), jnp.float32),
            pltpu.VMEM((CH, D_IN), jnp.float32),
            pltpu.VMEM_SHARED((N, D_IN), jnp.float32),
            pltpu.SemaphoreType.DMA,
            pltpu.SemaphoreType.DMA,
            pltpu.SemaphoreType.DMA,
            pltpu.SemaphoreType.DMA,
            pltpu.SemaphoreType.DMA,
            pltpu.SemaphoreType.DMA,
            pltpu.SemaphoreType.DMA,
            pltpu.SemaphoreType.DMA,
        ],
    )
    def sc_aggregate(feat_hbm, src_hbm, dst_hbm, out_hbm,
                     si0, si1, di0, di1, b0, b1, acc,
                     xs0, xs1, xd0, xd1, gs0, gs1, ss0, ss1):
        del ss0, ss1
        cid = lax.axis_index("c")
        sid = lax.axis_index("s")
        wid = cid * NS + sid
        r0 = sid * RPT
        pltpu.sync_copy(feat_hbm.at[pl.ds(r0, RPT)], acc.at[pl.ds(r0, RPT)])

        @pl.when(sid == NS - 1)
        def _():
            pltpu.sync_copy(feat_hbm.at[pl.ds(TAIL0, TAILN)], acc.at[pl.ds(TAIL0, TAILN)])

        plsc.subcore_barrier()

        def si_start(j, si, sem):
            pltpu.make_async_copy(src_hbm.at[wid, j, 0], si, sem).start()

        def si_wait(j, si, sem):
            pltpu.make_async_copy(src_hbm.at[wid, j, 0], si, sem).wait()

        def di_start(j, di, sem):
            pltpu.make_async_copy(dst_hbm.at[wid, j, 0], di, sem).start()

        def di_wait(j, di, sem):
            pltpu.make_async_copy(dst_hbm.at[wid, j, 0], di, sem).wait()

        si_start(0, si0, xs0)
        di_start(0, di0, xd0)
        si_start(1, si1, xs1)
        di_start(1, di1, xd1)

        def body(jj, carry):
            j = 2 * jj
            si_wait(j, si0, xs0)
            g0 = pltpu.async_copy(feat_hbm.at[si0], b0, gs0)
            si_wait(j + 1, si1, xs1)
            g1 = pltpu.async_copy(feat_hbm.at[si1], b1, gs1)
            di_wait(j, di0, xd0)
            g0.wait()
            pltpu.sync_copy(b0, acc.at[di0], add=True)

            @pl.when(j + 2 < NCH)
            def _():
                si_start(j + 2, si0, xs0)
                di_start(j + 2, di0, xd0)

            di_wait(j + 1, di1, xd1)
            g1.wait()
            pltpu.sync_copy(b1, acc.at[di1], add=True)

            @pl.when(j + 3 < NCH)
            def _():
                si_start(j + 3, si1, xs1)
                di_start(j + 3, di1, xd1)

            return carry

        lax.fori_loop(0, NCH // 2, body, 0)
        si_wait(NCH - 1, si0, xs0)
        di_wait(NCH - 1, di0, xd0)
        pltpu.async_copy(feat_hbm.at[si0], b0, gs0).wait()
        pltpu.sync_copy(b0, acc.at[di0], add=True)
        plsc.subcore_barrier()
        pltpu.sync_copy(acc.at[pl.ds(r0, RPT)], out_hbm.at[cid, pl.ds(r0, RPT)])

        @pl.when(sid == NS - 1)
        def _():
            pltpu.sync_copy(acc.at[pl.ds(TAIL0, TAILN)], out_hbm.at[cid, pl.ds(TAIL0, TAILN)])

    return sc_degree, sc_aggregate


def _tc_scale_body(deg_ref, x_ref, xs_ref, dis_ref):
    deg = deg_ref[:, 0:1] + deg_ref[:, 1:2] - 1.0
    dis = lax.rsqrt(deg)
    dis_ref[...] = dis
    xs_ref[...] = x_ref[...] * dis


def _tc_mid_body(dis_ref, xs_ref, a0_ref, a1_ref, w1_ref, b1_ref, wc_ref, ts_ref):
    dis = dis_ref[...]
    pre = (a0_ref[...] + a1_ref[...] - xs_ref[...]) * dis
    h = jnp.maximum(
        jnp.dot(pre, w1_ref[...], preferred_element_type=jnp.float32) + b1_ref[...],
        0.0,
    )
    t = jnp.dot(h, wc_ref[...], preferred_element_type=jnp.float32)
    ts_ref[...] = t * dis


def _tc_out_body(dis_ref, ts_ref, a0_ref, a1_ref, bc_ref, o_ref):
    o_ref[...] = (a0_ref[...] + a1_ref[...] - ts_ref[...]) * dis_ref[...] + bc_ref[...]


def _row_spec(d):
    return pl.BlockSpec((BN, d), lambda i: (i, 0))


def _full_spec(r, c):
    return pl.BlockSpec((r, c), lambda i: (0, 0))


def kernel(x, edge_index, W1, b1, Wmu, bmu, Wls, bls):
    src = edge_index[0].reshape(NW, NCH, 1, CH)
    dst = edge_index[1].reshape(NW, NCH, 1, CH)
    ones_col = jnp.ones((N, D_IN), jnp.float32)
    Wcat = jnp.concatenate([Wmu, Wls], axis=1)
    bcat = jnp.concatenate([bmu, bls])[None, :]
    b1r = b1[None, :]

    sc_degree, sc_aggregate = _sc_kernels()
    deg_p = sc_degree(dst, ones_col)
    degT = jnp.transpose(deg_p[:, :, 0])

    xs, dis = pl.pallas_call(
        _tc_scale_body,
        grid=(GRID,),
        in_specs=[_row_spec(2), _row_spec(D_IN)],
        out_specs=[_row_spec(D_IN), _row_spec(1)],
        out_shape=[
            jax.ShapeDtypeStruct((N, D_IN), jnp.float32),
            jax.ShapeDtypeStruct((N, 1), jnp.float32),
        ],
    )(degT, x)

    a1 = sc_aggregate(xs, src, dst)

    ts = pl.pallas_call(
        _tc_mid_body,
        grid=(GRID,),
        in_specs=[
            _row_spec(1), _row_spec(D_IN), _row_spec(D_IN), _row_spec(D_IN),
            _full_spec(D_IN, D_HID), _full_spec(1, D_HID), _full_spec(D_HID, 2 * D_OUT),
        ],
        out_specs=_row_spec(D_IN),
        out_shape=jax.ShapeDtypeStruct((N, D_IN), jnp.float32),
    )(dis, xs, a1[0], a1[1], W1, b1r, Wcat)

    a2 = sc_aggregate(ts, src, dst)

    out = pl.pallas_call(
        _tc_out_body,
        grid=(GRID,),
        in_specs=[
            _row_spec(1), _row_spec(D_IN), _row_spec(D_IN), _row_spec(D_IN),
            _full_spec(1, 2 * D_OUT),
        ],
        out_specs=_row_spec(D_IN),
        out_shape=jax.ShapeDtypeStruct((N, D_IN), jnp.float32),
    )(dis, ts, a2[0], a2[1], bcat)

    return (out[:, :D_OUT], out[:, D_OUT:])

# --- scband reference (transcript-rebuilt; emitter-appended) ---
"""Pipeline reference for scband-variational-gcnencoder-15539191677587 (READ-ONLY COPY).

The authoritative reference and input builder live on the scoring server;
editing this copy changes nothing except your own understanding.
"""

import jax, jax.numpy as jnp
import numpy as np

N = 10000
E = 320000
D_IN = 128
D_OUT = 64
D_HID = 2 * D_OUT


def _gcn_conv(x, edge_index, W, b):
    # GCNConv: linear transform, add self-loops, symmetric normalization, scatter-add aggregate, bias
    n = x.shape[0]
    h = x @ W
    loop = jnp.arange(n, dtype=edge_index.dtype)
    src = jnp.concatenate([edge_index[0], loop])
    dst = jnp.concatenate([edge_index[1], loop])
    deg = jnp.zeros((n,), dtype=h.dtype).at[dst].add(1.0)
    dis = jnp.where(deg > 0, jax.lax.rsqrt(deg), 0.0)
    norm = dis[src] * dis[dst]
    msg = h[src] * norm[:, None]
    out = jnp.zeros((n, h.shape[1]), dtype=h.dtype).at[dst].add(msg)
    return out + b


def setup_inputs(seed: int = 0):
    key = jax.random.key(seed)
    ks = jax.random.split(key, 8)
    x = jax.random.normal(ks[0], (N, D_IN), dtype=jnp.float32)
    edge_index = jax.random.randint(ks[1], (2, E), 0, N, dtype=jnp.int32)
    W1 = jax.random.normal(ks[2], (D_IN, D_HID), dtype=jnp.float32) * (1.0 / np.sqrt(D_IN))
    b1 = jnp.zeros((D_HID,), dtype=jnp.float32)
    Wmu = jax.random.normal(ks[3], (D_HID, D_OUT), dtype=jnp.float32) * (1.0 / np.sqrt(D_HID))
    bmu = jnp.zeros((D_OUT,), dtype=jnp.float32)
    Wls = jax.random.normal(ks[4], (D_HID, D_OUT), dtype=jnp.float32) * (1.0 / np.sqrt(D_HID))
    bls = jnp.zeros((D_OUT,), dtype=jnp.float32)
    return {"x": x, "edge_index": edge_index, "W1": W1, "b1": b1, "Wmu": Wmu, "bmu": bmu, "Wls": Wls, "bls": bls}


def reference(x, edge_index, W1, b1, Wmu, bmu, Wls, bls):
    h = jax.nn.relu(_gcn_conv(x, edge_index, W1, b1))
    mu = _gcn_conv(h, edge_index, Wmu, bmu)
    logstd = _gcn_conv(h, edge_index, Wls, bls)
    return (mu, logstd)

if __name__ == "__main__":
    import jax
    _d = setup_inputs()
    print(jax.jit(kernel)(*tuple(_d.values())))

</pallas_src>

<mosaic_0001>
#map = affine_map<(d0, d1) -> (0, 0)>
#map1 = affine_map<(d0, d1) -> (0, 0, 0, 0)>
#map2 = affine_map<(d0, d1) -> (0, 0, 0)>
module attributes {stable_mosaic.version = 14 : i64} {
  func.func @sc_aggregate(%arg0: i32, %arg1: i32, %arg2: memref<10000x128xf32, #tpu.memory_space<hbm>>, %arg3: memref<32x125x1x80xi32, #tpu.memory_space<hbm>>, %arg4: memref<32x125x1x80xi32, #tpu.memory_space<hbm>>, %arg5: memref<2x10000x128xf32, #tpu.memory_space<hbm>>, %arg6: memref<80xi32, #tpu.memory_space<vmem>>, %arg7: memref<80xi32, #tpu.memory_space<vmem>>, %arg8: memref<80xi32, #tpu.memory_space<vmem>>, %arg9: memref<80xi32, #tpu.memory_space<vmem>>, %arg10: memref<80x128xf32, #tpu.memory_space<vmem>>, %arg11: memref<80x128xf32, #tpu.memory_space<vmem>>, %arg12: memref<10000x128xf32, #tpu.memory_space<vmem_shared>>, %arg13: memref<!tpu.dma_semaphore, #tpu.memory_space<semaphore_mem>>, %arg14: memref<!tpu.dma_semaphore, #tpu.memory_space<semaphore_mem>>, %arg15: memref<!tpu.dma_semaphore, #tpu.memory_space<semaphore_mem>>, %arg16: memref<!tpu.dma_semaphore, #tpu.memory_space<semaphore_mem>>, %arg17: memref<!tpu.dma_semaphore, #tpu.memory_space<semaphore_mem>>, %arg18: memref<!tpu.dma_semaphore, #tpu.memory_space<semaphore_mem>>, %arg19: memref<!tpu.dma_semaphore, #tpu.memory_space<semaphore_mem>>, %arg20: memref<!tpu.dma_semaphore, #tpu.memory_space<semaphore_mem>>) attributes {dimension_semantics = [#tpu.dimension_semantics<core_parallel>, #tpu.dimension_semantics<subcore_parallel>], iteration_bounds = array<i64: 2, 16>, scalar_prefetch = 0 : i64, scratch_operands = 15 : i64, tpu.core_type = #tpu.core_type<sc_vector_subcore>, window_params = [{transform_indices = #map}, {transform_indices = #map1}, {transform_indices = #map1}, {transform_indices = #map2}]} {
    %mul3A = arith.constant 16 : i32
    %mul3A_0 = arith.muli %arg0, %mul3A : i32
    %add3A = arith.addi %mul3A_0, %arg1 : i32
    %mul3A_1 = arith.constant 624 : i32
    %mul3A_2 = arith.muli %arg1, %mul3A_1 : i32
    "tpu.region"() ({
      %run_scoped3A = tpu.sem_alloc : memref<!tpu.dma_semaphore, #tpu.memory_space<semaphore_mem>>
      %dma_start3A_68 = arith.constant 0 : i32
      %dma_start3A_69 = tpu.memref_slice %arg12[%mul3A_2, %dma_start3A_68] : memref<10000x128xf32, #tpu.memory_space<vmem_shared>> -> memref<624x128xf32, #tpu.memory_space<vmem_shared>>
      %dma_start3A_70 = arith.constant 0 : i32
      %dma_start3A_71 = tpu.memref_slice %arg2[%mul3A_2, %dma_start3A_70] : memref<10000x128xf32, #tpu.memory_space<hbm>> -> memref<624x128xf32, #tpu.memory_space<hbm>>
      tpu.enqueue_dma source(%dma_start3A_71 : memref<624x128xf32, #tpu.memory_space<hbm>>) target(%dma_start3A_69 : memref<624x128xf32, #tpu.memory_space<vmem_shared>>) target_semaphore(%run_scoped3A : memref<!tpu.dma_semaphore, #tpu.memory_space<semaphore_mem>>)
      %dma_wait3A_72 = arith.constant 0 : i32
      %dma_wait3A_73 = tpu.memref_slice %arg12[%mul3A_2, %dma_wait3A_72] : memref<10000x128xf32, #tpu.memory_space<vmem_shared>> -> memref<624x128xf32, #tpu.memory_space<vmem_shared>>
      %dma_wait3A_74 = arith.constant 0 : i32
      %dma_wait3A_75 = tpu.memref_slice %arg2[%mul3A_2, %dma_wait3A_74] : memref<10000x128xf32, #tpu.memory_space<hbm>> -> memref<624x128xf32, #tpu.memory_space<hbm>>
      tpu.wait_dma2 semaphore(%run_scoped3A : memref<!tpu.dma_semaphore, #tpu.memory_space<semaphore_mem>>) src(%dma_wait3A_75 : memref<624x128xf32, #tpu.memory_space<hbm>>) dst(%dma_wait3A_73 : memref<624x128xf32, #tpu.memory_space<vmem_shared>>)
      tpu.yield
    }) : () -> ()
    %eq3A = arith.constant 15 : i32
    %eq3A_3 = arith.cmpi eq, %arg1, %eq3A : i32
    %convert_element_type3A = arith.extui %eq3A_3 : i1 to i32
    %cond3A = arith.constant 0 : i32
    %cond3A_4 = arith.cmpi ne, %convert_element_type3A, %cond3A : i32
    scf.if %cond3A_4 {
      "tpu.region"() ({
        %run_scoped3A = tpu.sem_alloc : memref<!tpu.dma_semaphore, #tpu.memory_space<semaphore_mem>>
        %dma_start3A_68 = arith.constant 9984 : i32
        %dma_start3A_69 = arith.constant 0 : i32
        %dma_start3A_70 = tpu.memref_slice %arg12[%dma_start3A_68, %dma_start3A_69] : memref<10000x128xf32, #tpu.memory_space<vmem_shared>> -> memref<16x128xf32, #tpu.memory_space<vmem_shared>>
        %dma_start3A_71 = arith.constant 9984 : i32
        %dma_start3A_72 = arith.constant 0 : i32
        %dma_start3A_73 = tpu.memref_slice %arg2[%dma_start3A_71, %dma_start3A_72] : memref<10000x128xf32, #tpu.memory_space<hbm>> -> memref<16x128xf32, #tpu.memory_space<hbm>>
        tpu.enqueue_dma source(%dma_start3A_73 : memref<16x128xf32, #tpu.memory_space<hbm>>) target(%dma_start3A_70 : memref<16x128xf32, #tpu.memory_space<vmem_shared>>) target_semaphore(%run_scoped3A : memref<!tpu.dma_semaphore, #tpu.memory_space<semaphore_mem>>)
        %dma_wait3A_74 = arith.constant 9984 : i32
        %dma_wait3A_75 = arith.constant 0 : i32
        %dma_wait3A_76 = tpu.memref_slice %arg12[%dma_wait3A_74, %dma_wait3A_75] : memref<10000x128xf32, #tpu.memory_space<vmem_shared>> -> memref<16x128xf32, #tpu.memory_space<vmem_shared>>
        %dma_wait3A_77 = arith.constant 9984 : i32
        %dma_wait3A_78 = arith.constant 0 : i32
        %dma_wait3A_79 = tpu.memref_slice %arg2[%dma_wait3A_77, %dma_wait3A_78] : memref<10000x128xf32, #tpu.memory_space<hbm>> -> memref<16x128xf32, #tpu.memory_space<hbm>>
        tpu.wait_dma2 semaphore(%run_scoped3A : memref<!tpu.dma_semaphore, #tpu.memory_space<semaphore_mem>>) src(%dma_wait3A_79 : memref<16x128xf32, #tpu.memory_space<hbm>>) dst(%dma_wait3A_76 : memref<16x128xf32, #tpu.memory_space<vmem_shared>>)
        tpu.yield
      }) : () -> ()
    } else {
    }
    %barrier3A = arith.constant 0 : index
    tpu.barrier barrier_id(%barrier3A)
    %dma_start3A = arith.constant 0 : i32
    %dma_start3A_5 = arith.constant 0 : i32
    %dma_start3A_6 = arith.constant 0 : i32
    %dma_start3A_7 = tpu.memref_slice %arg3[%add3A, %dma_start3A, %dma_start3A_5, %dma_start3A_6] : memref<32x125x1x80xi32, #tpu.memory_space<hbm>> -> memref<1x1x1x80xi32, #tpu.memory_space<hbm>>
    %dma_start3A_8 = tpu.memref_squeeze %dma_start3A_7 : memref<1x1x1x80xi32, #tpu.memory_space<hbm>> -> memref<80xi32, #tpu.memory_space<hbm>>
    %dma_start3A_9 = arith.constant 0 : i32
    %dma_start3A_10 = tpu.memref_slice %arg3[%add3A, %dma_start3A, %dma_start3A_5, %dma_start3A_9] : memref<32x125x1x80xi32, #tpu.memory_space<hbm>> -> memref<1x1x1x80xi32, #tpu.memory_space<hbm>>
    %dma_start3A_11 = tpu.memref_squeeze %dma_start3A_10 : memref<1x1x1x80xi32, #tpu.memory_space<hbm>> -> memref<80xi32, #tpu.memory_space<hbm>>
    tpu.enqueue_dma source(%dma_start3A_11 : memref<80xi32, #tpu.memory_space<hbm>>) target(%arg6 : memref<80xi32, #tpu.memory_space<vmem>>) target_semaphore(%arg13 : memref<!tpu.dma_semaphore, #tpu.memory_space<semaphore_mem>>)
    %dma_start3A_12 = arith.constant 0 : i32
    %dma_start3A_13 = arith.constant 0 : i32
    %dma_start3A_14 = arith.constant 0 : i32
    %dma_start3A_15 = tpu.memref_slice %arg4[%add3A, %dma_start3A_12, %dma_start3A_13, %dma_start3A_14] : memref<32x125x1x80xi32, #tpu.memory_space<hbm>> -> memref<1x1x1x80xi32, #tpu.memory_space<hbm>>
    %dma_start3A_16 = tpu.memref_squeeze %dma_start3A_15 : memref<1x1x1x80xi32, #tpu.memory_space<hbm>> -> memref<80xi32, #tpu.memory_space<hbm>>
    %dma_start3A_17 = arith.constant 0 : i32
    %dma_start3A_18 = tpu.memref_slice %arg4[%add3A, %dma_start3A_12, %dma_start3A_13, %dma_start3A_17] : memref<32x125x1x80xi32, #tpu.memory_space<hbm>> -> memref<1x1x1x80xi32, #tpu.memory_space<hbm>>
    %dma_start3A_19 = tpu.memref_squeeze %dma_start3A_18 : memref<1x1x1x80xi32, #tpu.memory_space<hbm>> -> memref<80xi32, #tpu.memory_space<hbm>>
    tpu.enqueue_dma source(%dma_start3A_19 : memref<80xi32, #tpu.memory_space<hbm>>) target(%arg8 : memref<80xi32, #tpu.memory_space<vmem>>) target_semaphore(%arg15 : memref<!tpu.dma_semaphore, #tpu.memory_space<semaphore_mem>>)
    %dma_start3A_20 = arith.constant 1 : i32
    %dma_start3A_21 = arith.constant 0 : i32
    %dma_start3A_22 = arith.constant 0 : i32
    %dma_start3A_23 = tpu.memref_slice %arg3[%add3A, %dma_start3A_20, %dma_start3A_21, %dma_start3A_22] : memref<32x125x1x80xi32, #tpu.memory_space<hbm>> -> memref<1x1x1x80xi32, #tpu.memory_space<hbm>>
    %dma_start3A_24 = tpu.memref_squeeze %dma_start3A_23 : memref<1x1x1x80xi32, #tpu.memory_space<hbm>> -> memref<80xi32, #tpu.memory_space<hbm>>
    %dma_start3A_25 = arith.constant 0 : i32
    %dma_start3A_26 = tpu.memref_slice %arg3[%add3A, %dma_start3A_20, %dma_start3A_21, %dma_start3A_25] : memref<32x125x1x80xi32, #tpu.memory_space<hbm>> -> memref<1x1x1x80xi32, #tpu.memory_space<hbm>>
    %dma_start3A_27 = tpu.memref_squeeze %dma_start3A_26 : memref<1x1x1x80xi32, #tpu.memory_space<hbm>> -> memref<80xi32, #tpu.memory_space<hbm>>
    tpu.enqueue_dma source(%dma_start3A_27 : memref<80xi32, #tpu.memory_space<hbm>>) target(%arg7 : memref<80xi32, #tpu.memory_space<vmem>>) target_semaphore(%arg14 : memref<!tpu.dma_semaphore, #tpu.memory_space<semaphore_mem>>)
    %dma_start3A_28 = arith.constant 1 : i32
    %dma_start3A_29 = arith.constant 0 : i32
    %dma_start3A_30 = arith.constant 0 : i32
    %dma_start3A_31 = tpu.memref_slice %arg4[%add3A, %dma_start3A_28, %dma_start3A_29, %dma_start3A_30] : memref<32x125x1x80xi32, #tpu.memory_space<hbm>> -> memref<1x1x1x80xi32, #tpu.memory_space<hbm>>
    %dma_start3A_32 = tpu.memref_squeeze %dma_start3A_31 : memref<1x1x1x80xi32, #tpu.memory_space<hbm>> -> memref<80xi32, #tpu.memory_space<hbm>>
    %dma_start3A_33 = arith.constant 0 : i32
    %dma_start3A_34 = tpu.memref_slice %arg4[%add3A, %dma_start3A_28, %dma_start3A_29, %dma_start3A_33] : memref<32x125x1x80xi32, #tpu.memory_space<hbm>> -> memref<1x1x1x80xi32, #tpu.memory_space<hbm>>
    %dma_start3A_35 = tpu.memref_squeeze %dma_start3A_34 : memref<1x1x1x80xi32, #tpu.memory_space<hbm>> -> memref<80xi32, #tpu.memory_space<hbm>>
    tpu.enqueue_dma source(%dma_start3A_35 : memref<80xi32, #tpu.memory_space<hbm>>) target(%arg9 : memref<80xi32, #tpu.memory_space<vmem>>) target_semaphore(%arg16 : memref<!tpu.dma_semaphore, #tpu.memory_space<semaphore_mem>>)
    %scan3A = arith.constant 0 : i32
    %scan3A_36 = arith.constant 0 : i32
    %scan3A_37 = arith.constant 62 : i32
    %scan3A_38 = arith.addi %scan3A_36, %scan3A_37 : i32
    %scan3A_39 = arith.constant 1 : i32
    scf.for %scan3A_68 = %scan3A_36 to %scan3A_38 step %scan3A_39  : i32 {
      %mul3A_69 = arith.constant 2 : i32
      %mul3A_70 = arith.muli %mul3A_69, %scan3A_68 : i32
      %dma_wait3A_71 = arith.constant 0 : i32
      %dma_wait3A_72 = arith.constant 0 : i32
      %dma_wait3A_73 = tpu.memref_slice %arg3[%add3A, %mul3A_70, %dma_wait3A_71, %dma_wait3A_72] : memref<32x125x1x80xi32, #tpu.memory_space<hbm>> -> memref<1x1x1x80xi32, #tpu.memory_space<hbm>>
      %dma_wait3A_74 = tpu.memref_squeeze %dma_wait3A_73 : memref<1x1x1x80xi32, #tpu.memory_space<hbm>> -> memref<80xi32, #tpu.memory_space<hbm>>
      %dma_wait3A_75 = arith.constant 0 : i32
      %dma_wait3A_76 = tpu.memref_slice %arg3[%add3A, %mul3A_70, %dma_wait3A_71, %dma_wait3A_75] : memref<32x125x1x80xi32, #tpu.memory_space<hbm>> -> memref<1x1x1x80xi32, #tpu.memory_space<hbm>>
      %dma_wait3A_77 = tpu.memref_squeeze %dma_wait3A_76 : memref<1x1x1x80xi32, #tpu.memory_space<hbm>> -> memref<80xi32, #tpu.memory_space<hbm>>
      tpu.wait_dma2 semaphore(%arg13 : memref<!tpu.dma_semaphore, #tpu.memory_space<semaphore_mem>>) src(%dma_wait3A_77 : memref<80xi32, #tpu.memory_space<hbm>>) dst(%arg6 : memref<80xi32, #tpu.memory_space<vmem>>)
      %dma_start3A_78 = arith.constant 0 : i32
      %dma_start3A_79 = arith.constant 0 : i32
      %dma_start3A_80 = tpu.memref_slice %arg2[%dma_start3A_78, %dma_start3A_79] : memref<10000x128xf32, #tpu.memory_space<hbm>> -> memref<10000x128xf32, #tpu.memory_space<hbm>>
      tpu.enqueue_indirect_dma source(%dma_start3A_80 : memref<10000x128xf32, #tpu.memory_space<hbm>>) target(%arg10 : memref<80x128xf32, #tpu.memory_space<vmem>>) offsets(%arg6 : memref<80xi32, #tpu.memory_space<vmem>>) semaphore(%arg17 : memref<!tpu.dma_semaphore, #tpu.memory_space<semaphore_mem>>)
      %add3A_81 = arith.constant 1 : i32
      %add3A_82 = arith.addi %mul3A_70, %add3A_81 : i32
      %dma_wait3A_83 = arith.constant 0 : i32
      %dma_wait3A_84 = arith.constant 0 : i32
      %dma_wait3A_85 = tpu.memref_slice %arg3[%add3A, %add3A_82, %dma_wait3A_83, %dma_wait3A_84] : memref<32x125x1x80xi32, #tpu.memory_space<hbm>> -> memref<1x1x1x80xi32, #tpu.memory_space<hbm>>
      %dma_wait3A_86 = tpu.memref_squeeze %dma_wait3A_85 : memref<1x1x1x80xi32, #tpu.memory_space<hbm>> -> memref<80xi32, #tpu.memory_space<hbm>>
      %dma_wait3A_87 = arith.constant 0 : i32
      %dma_wait3A_88 = tpu.memref_slice %arg3[%add3A, %add3A_82, %dma_wait3A_83, %dma_wait3A_87] : memref<32x125x1x80xi32, #tpu.memory_space<hbm>> -> memref<1x1x1x80xi32, #tpu.memory_space<hbm>>
      %dma_wait3A_89 = tpu.memref_squeeze %dma_wait3A_88 : memref<1x1x1x80xi32, #tpu.memory_space<hbm>> -> memref<80xi32, #tpu.memory_space<hbm>>
      tpu.wait_dma2 semaphore(%arg14 : memref<!tpu.dma_semaphore, #tpu.memory_space<semaphore_mem>>) src(%dma_wait3A_89 : memref<80xi32, #tpu.memory_space<hbm>>) dst(%arg7 : memref<80xi32, #tpu.memory_space<vmem>>)
      %dma_start3A_90 = arith.constant 0 : i32
      %dma_start3A_91 = arith.constant 0 : i32
      %dma_start3A_92 = tpu.memref_slice %arg2[%dma_start3A_90, %dma_start3A_91] : memref<10000x128xf32, #tpu.memory_space<hbm>> -> memref<10000x128xf32, #tpu.memory_space<hbm>>
      tpu.enqueue_indirect_dma source(%dma_start3A_92 : memref<10000x128xf32, #tpu.memory_space<hbm>>) target(%arg11 : memref<80x128xf32, #tpu.memory_space<vmem>>) offsets(%arg7 : memref<80xi32, #tpu.memory_space<vmem>>) semaphore(%arg18 : memref<!tpu.dma_semaphore, #tpu.memory_space<semaphore_mem>>)
      %dma_wait3A_93 = arith.constant 0 : i32
      %dma_wait3A_94 = arith.constant 0 : i32
      %dma_wait3A_95 = tpu.memref_slice %arg4[%add3A, %mul3A_70, %dma_wait3A_93, %dma_wait3A_94] : memref<32x125x1x80xi32, #tpu.memory_space<hbm>> -> memref<1x1x1x80xi32, #tpu.memory_space<hbm>>
      %dma_wait3A_96 = tpu.memref_squeeze %dma_wait3A_95 : memref<1x1x1x80xi32, #tpu.memory_space<hbm>> -> memref<80xi32, #tpu.memory_space<hbm>>
      %dma_wait3A_97 = arith.constant 0 : i32
      %dma_wait3A_98 = tpu.memref_slice %arg4[%add3A, %mul3A_70, %dma_wait3A_93, %dma_wait3A_97] : memref<32x125x1x80xi32, #tpu.memory_space<hbm>> -> memref<1x1x1x80xi32, #tpu.memory_space<hbm>>
      %dma_wait3A_99 = tpu.memref_squeeze %dma_wait3A_98 : memref<1x1x1x80xi32, #tpu.memory_space<hbm>> -> memref<80xi32, #tpu.memory_space<hbm>>
      tpu.wait_dma2 semaphore(%arg15 : memref<!tpu.dma_semaphore, #tpu.memory_space<semaphore_mem>>) src(%dma_wait3A_99 : memref<80xi32, #tpu.memory_space<hbm>>) dst(%arg8 : memref<80xi32, #tpu.memory_space<vmem>>)
      %dma_wait3A_100 = arith.constant 0 : i32
      %dma_wait3A_101 = arith.constant 0 : i32
      %dma_wait3A_102 = tpu.memref_slice %arg2[%dma_wait3A_100, %dma_wait3A_101] : memref<10000x128xf32, #tpu.memory_space<hbm>> -> memref<10000x128xf32, #tpu.memory_space<hbm>>
      tpu.wait_indirect_dma semaphore(%arg17 : memref<!tpu.dma_semaphore, #tpu.memory_space<semaphore_mem>>) src(%dma_wait3A_102 : memref<10000x128xf32, #tpu.memory_space<hbm>>) dst(%arg10 : memref<80x128xf32, #tpu.memory_space<vmem>>)
      "tpu.region"() ({
        %run_scoped3A = tpu.sem_alloc : memref<!tpu.dma_semaphore, #tpu.memory_space<semaphore_mem>>
        %dma_start3A_128 = arith.constant 0 : i32
        %dma_start3A_129 = arith.constant 0 : i32
        %dma_start3A_130 = tpu.memref_slice %arg12[%dma_start3A_128, %dma_start3A_129] : memref<10000x128xf32, #tpu.memory_space<vmem_shared>> -> memref<10000x128xf32, #tpu.memory_space<vmem_shared>>
        tpu.enqueue_indirect_dma source(%arg10 : memref<80x128xf32, #tpu.memory_space<vmem>>) target(%dma_start3A_130 : memref<10000x128xf32, #tpu.memory_space<vmem_shared>>) offsets(%arg8 : memref<80xi32, #tpu.memory_space<vmem>>) semaphore(%run_scoped3A : memref<!tpu.dma_semaphore, #tpu.memory_space<semaphore_mem>>) {add = true}
        %dma_wait3A_131 = arith.constant 0 : i32
        %dma_wait3A_132 = arith.constant 0 : i32
        %dma_wait3A_133 = tpu.memref_slice %arg12[%dma_wait3A_131, %dma_wait3A_132] : memref<10000x128xf32, #tpu.memory_space<vmem_shared>> -> memref<10000x128xf32, #tpu.memory_space<vmem_shared>>
        tpu.wait_indirect_dma semaphore(%run_scoped3A : memref<!tpu.dma_semaphore, #tpu.memory_space<semaphore_mem>>) src(%arg10 : memref<80x128xf32, #tpu.memory_space<vmem>>) dst(%dma_wait3A_133 : memref<10000x128xf32, #tpu.memory_space<vmem_shared>>)
        tpu.yield
      }) : () -> ()
      %add3A_103 = arith.constant 2 : i32
      %add3A_104 = arith.addi %mul3A_70, %add3A_103 : i32
      %lt3A = arith.constant 125 : i32
      %lt3A_105 = arith.cmpi slt, %add3A_104, %lt3A : i32
      %convert_element_type3A_106 = arith.extui %lt3A_105 : i1 to i32
      %cond3A_107 = arith.constant 0 : i32
      %cond3A_108 = arith.cmpi ne, %convert_element_type3A_106, %cond3A_107 : i32
      scf.if %cond3A_108 {
        %add3A_128 = arith.constant 2 : i32
        %add3A_129 = arith.addi %mul3A_70, %add3A_128 : i32
        %dma_start3A_130 = arith.constant 0 : i32
        %dma_start3A_131 = arith.constant 0 : i32
        %dma_start3A_132 = tpu.memref_slice %arg3[%add3A, %add3A_129, %dma_start3A_130, %dma_start3A_131] : memref<32x125x1x80xi32, #tpu.memory_space<hbm>> -> memref<1x1x1x80xi32, #tpu.memory_space<hbm>>
        %dma_start3A_133 = tpu.memref_squeeze %dma_start3A_132 : memref<1x1x1x80xi32, #tpu.memory_space<hbm>> -> memref<80xi32, #tpu.memory_space<hbm>>
        %dma_start3A_134 = arith.constant 0 : i32
        %dma_start3A_135 = tpu.memref_slice %arg3[%add3A, %add3A_129, %dma_start3A_130, %dma_start3A_134] : memref<32x125x1x80xi32, #tpu.memory_space<hbm>> -> memref<1x1x1x80xi32, #tpu.memory_space<hbm>>
        %dma_start3A_136 = tpu.memref_squeeze %dma_start3A_135 : memref<1x1x1x80xi32, #tpu.memory_space<hbm>> -> memref<80xi32, #tpu.memory_space<hbm>>
        tpu.enqueue_dma source(%dma_start3A_136 : memref<80xi32, #tpu.memory_space<hbm>>) target(%arg6 : memref<80xi32, #tpu.memory_space<vmem>>) target_semaphore(%arg13 : memref<!tpu.dma_semaphore, #tpu.memory_space<semaphore_mem>>)
        %add3A_137 = arith.constant 2 : i32
        %add3A_138 = arith.addi %mul3A_70, %add3A_137 : i32
        %dma_start3A_139 = arith.constant 0 : i32
        %dma_start3A_140 = arith.constant 0 : i32
        %dma_start3A_141 = tpu.memref_slice %arg4[%add3A, %add3A_138, %dma_start3A_139, %dma_start3A_140] : memref<32x125x1x80xi32, #tpu.memory_space<hbm>> -> memref<1x1x1x80xi32, #tpu.memory_space<hbm>>
        %dma_start3A_142 = tpu.memref_squeeze %dma_start3A_141 : memref<1x1x1x80xi32, #tpu.memory_space<hbm>> -> memref<80xi32, #tpu.memory_space<hbm>>
        %dma_start3A_143 = arith.constant 0 : i32
        %dma_start3A_144 = tpu.memref_slice %arg4[%add3A, %add3A_138, %dma_start3A_139, %dma_start3A_143] : memref<32x125x1x80xi32, #tpu.memory_space<hbm>> -> memref<1x1x1x80xi32, #tpu.memory_space<hbm>>
        %dma_start3A_145 = tpu.memref_squeeze %dma_start3A_144 : memref<1x1x1x80xi32, #tpu.memory_space<hbm>> -> memref<80xi32, #tpu.memory_space<hbm>>
        tpu.enqueue_dma source(%dma_start3A_145 : memref<80xi32, #tpu.memory_space<hbm>>) target(%arg8 : memref<80xi32, #tpu.memory_space<vmem>>) target_semaphore(%arg15 : memref<!tpu.dma_semaphore, #tpu.memory_space<semaphore_mem>>)
      } else {
      }
      %add3A_109 = arith.constant 1 : i32
      %add3A_110 = arith.addi %mul3A_70, %add3A_109 : i32
      %dma_wait3A_111 = arith.constant 0 : i32
      %dma_wait3A_112 = arith.constant 0 : i32
      %dma_wait3A_113 = tpu.memref_slice %arg4[%add3A, %add3A_110, %dma_wait3A_111, %dma_wait3A_112] : memref<32x125x1x80xi32, #tpu.memory_space<hbm>> -> memref<1x1x1x80xi32, #tpu.memory_space<hbm>>
      %dma_wait3A_114 = tpu.memref_squeeze %dma_wait3A_113 : memref<1x1x1x80xi32, #tpu.memory_space<hbm>> -> memref<80xi32, #tpu.memory_space<hbm>>
      %dma_wait3A_115 = arith.constant 0 : i32
      %dma_wait3A_116 = tpu.memref_slice %arg4[%add3A, %add3A_110, %dma_wait3A_111, %dma_wait3A_115] : memref<32x125x1x80xi32, #tpu.memory_space<hbm>> -> memref<1x1x1x80xi32, #tpu.memory_space<hbm>>
      %dma_wait3A_117 = tpu.memref_squeeze %dma_wait3A_116 : memref<1x1x1x80xi32, #tpu.memory_space<hbm>> -> memref<80xi32, #tpu.memory_space<hbm>>
      tpu.wait_dma2 semaphore(%arg16 : memref<!tpu.dma_semaphore, #tpu.memory_space<semaphore_mem>>) src(%dma_wait3A_117 : memref<80xi32, #tpu.memory_space<hbm>>) dst(%arg9 : memref<80xi32, #tpu.memory_space<vmem>>)
      %dma_wait3A_118 = arith.constant 0 : i32
      %dma_wait3A_119 = arith.constant 0 : i32
      %dma_wait3A_120 = tpu.memref_slice %arg2[%dma_wait3A_118, %dma_wait3A_119] : memref<10000x128xf32, #tpu.memory_space<hbm>> -> memref<10000x128xf32, #tpu.memory_space<hbm>>
      tpu.wait_indirect_dma semaphore(%arg18 : memref<!tpu.dma_semaphore, #tpu.memory_space<semaphore_mem>>) src(%dma_wait3A_120 : memref<10000x128xf32, #tpu.memory_space<hbm>>) dst(%arg11 : memref<80x128xf32, #tpu.memory_space<vmem>>)
      "tpu.region"() ({
        %run_scoped3A = tpu.sem_alloc : memref<!tpu.dma_semaphore, #tpu.memory_space<semaphore_mem>>
        %dma_start3A_128 = arith.constant 0 : i32
        %dma_start3A_129 = arith.constant 0 : i32
        %dma_start3A_130 = tpu.memref_slice %arg12[%dma_start3A_128, %dma_start3A_129] : memref<10000x128xf32, #tpu.memory_space<vmem_shared>> -> memref<10000x128xf32, #tpu.memory_space<vmem_shared>>
        tpu.enqueue_indirect_dma source(%arg11 : memref<80x128xf32, #tpu.memory_space<vmem>>) target(%dma_start3A_130 : memref<10000x128xf32, #tpu.memory_space<vmem_shared>>) offsets(%arg9 : memref<80xi32, #tpu.memory_space<vmem>>) semaphore(%run_scoped3A : memref<!tpu.dma_semaphore, #tpu.memory_space<semaphore_mem>>) {add = true}
        %dma_wait3A_131 = arith.constant 0 : i32
        %dma_wait3A_132 = arith.constant 0 : i32
        %dma_wait3A_133 = tpu.memref_slice %arg12[%dma_wait3A_131, %dma_wait3A_132] : memref<10000x128xf32, #tpu.memory_space<vmem_shared>> -> memref<10000x128xf32, #tpu.memory_space<vmem_shared>>
        tpu.wait_indirect_dma semaphore(%run_scoped3A : memref<!tpu.dma_semaphore, #tpu.memory_space<semaphore_mem>>) src(%arg11 : memref<80x128xf32, #tpu.memory_space<vmem>>) dst(%dma_wait3A_133 : memref<10000x128xf32, #tpu.memory_space<vmem_shared>>)
        tpu.yield
      }) : () -> ()
      %add3A_121 = arith.constant 3 : i32
      %add3A_122 = arith.addi %mul3A_70, %add3A_121 : i32
      %lt3A_123 = arith.constant 125 : i32
      %lt3A_124 = arith.cmpi slt, %add3A_122, %lt3A_123 : i32
      %convert_element_type3A_125 = arith.extui %lt3A_124 : i1 to i32
      %cond3A_126 = arith.constant 0 : i32
      %cond3A_127 = arith.cmpi ne, %convert_element_type3A_125, %cond3A_126 : i32
      scf.if %cond3A_127 {
        %add3A_128 = arith.constant 3 : i32
        %add3A_129 = arith.addi %mul3A_70, %add3A_128 : i32
        %dma_start3A_130 = arith.constant 0 : i32
        %dma_start3A_131 = arith.constant 0 : i32
        %dma_start3A_132 = tpu.memref_slice %arg3[%add3A, %add3A_129, %dma_start3A_130, %dma_start3A_131] : memref<32x125x1x80xi32, #tpu.memory_space<hbm>> -> memref<1x1x1x80xi32, #tpu.memory_space<hbm>>
        %dma_start3A_133 = tpu.memref_squeeze %dma_start3A_132 : memref<1x1x1x80xi32, #tpu.memory_space<hbm>> -> memref<80xi32, #tpu.memory_space<hbm>>
        %dma_start3A_134 = arith.constant 0 : i32
        %dma_start3A_135 = tpu.memref_slice %arg3[%add3A, %add3A_129, %dma_start3A_130, %dma_start3A_134] : memref<32x125x1x80xi32, #tpu.memory_space<hbm>> -> memref<1x1x1x80xi32, #tpu.memory_space<hbm>>
        %dma_start3A_136 = tpu.memref_squeeze %dma_start3A_135 : memref<1x1x1x80xi32, #tpu.memory_space<hbm>> -> memref<80xi32, #tpu.memory_space<hbm>>
        tpu.enqueue_dma source(%dma_start3A_136 : memref<80xi32, #tpu.memory_space<hbm>>) target(%arg7 : memref<80xi32, #tpu.memory_space<vmem>>) target_semaphore(%arg14 : memref<!tpu.dma_semaphore, #tpu.memory_space<semaphore_mem>>)
        %add3A_137 = arith.constant 3 : i32
        %add3A_138 = arith.addi %mul3A_70, %add3A_137 : i32
        %dma_start3A_139 = arith.constant 0 : i32
        %dma_start3A_140 = arith.constant 0 : i32
        %dma_start3A_141 = tpu.memref_slice %arg4[%add3A, %add3A_138, %dma_start3A_139, %dma_start3A_140] : memref<32x125x1x80xi32, #tpu.memory_space<hbm>> -> memref<1x1x1x80xi32, #tpu.memory_space<hbm>>
        %dma_start3A_142 = tpu.memref_squeeze %dma_start3A_141 : memref<1x1x1x80xi32, #tpu.memory_space<hbm>> -> memref<80xi32, #tpu.memory_space<hbm>>
        %dma_start3A_143 = arith.constant 0 : i32
        %dma_start3A_144 = tpu.memref_slice %arg4[%add3A, %add3A_138, %dma_start3A_139, %dma_start3A_143] : memref<32x125x1x80xi32, #tpu.memory_space<hbm>> -> memref<1x1x1x80xi32, #tpu.memory_space<hbm>>
        %dma_start3A_145 = tpu.memref_squeeze %dma_start3A_144 : memref<1x1x1x80xi32, #tpu.memory_space<hbm>> -> memref<80xi32, #tpu.memory_space<hbm>>
        tpu.enqueue_dma source(%dma_start3A_145 : memref<80xi32, #tpu.memory_space<hbm>>) target(%arg9 : memref<80xi32, #tpu.memory_space<vmem>>) target_semaphore(%arg16 : memref<!tpu.dma_semaphore, #tpu.memory_space<semaphore_mem>>)
      } else {
      }
    }
    %scan3A_40 = arith.constant 62 : i32
    %dma_wait3A = arith.constant 124 : i32
    %dma_wait3A_41 = arith.constant 0 : i32
    %dma_wait3A_42 = arith.constant 0 : i32
    %dma_wait3A_43 = tpu.memref_slice %arg3[%add3A, %dma_wait3A, %dma_wait3A_41, %dma_wait3A_42] : memref<32x125x1x80xi32, #tpu.memory_space<hbm>> -> memref<1x1x1x80xi32, #tpu.memory_space<hbm>>
    %dma_wait3A_44 = tpu.memref_squeeze %dma_wait3A_43 : memref<1x1x1x80xi32, #tpu.memory_space<hbm>> -> memref<80xi32, #tpu.memory_space<hbm>>
    %dma_wait3A_45 = arith.constant 0 : i32
    %dma_wait3A_46 = tpu.memref_slice %arg3[%add3A, %dma_wait3A, %dma_wait3A_41, %dma_wait3A_45] : memref<32x125x1x80xi32, #tpu.memory_space<hbm>> -> memref<1x1x1x80xi32, #tpu.memory_space<hbm>>
    %dma_wait3A_47 = tpu.memref_squeeze %dma_wait3A_46 : memref<1x1x1x80xi32, #tpu.memory_space<hbm>> -> memref<80xi32, #tpu.memory_space<hbm>>
    tpu.wait_dma2 semaphore(%arg13 : memref<!tpu.dma_semaphore, #tpu.memory_space<semaphore_mem>>) src(%dma_wait3A_47 : memref<80xi32, #tpu.memory_space<hbm>>) dst(%arg6 : memref<80xi32, #tpu.memory_space<vmem>>)
    %dma_wait3A_48 = arith.constant 124 : i32
    %dma_wait3A_49 = arith.constant 0 : i32
    %dma_wait3A_50 = arith.constant 0 : i32
    %dma_wait3A_51 = tpu.memref_slice %arg4[%add3A, %dma_wait3A_48, %dma_wait3A_49, %dma_wait3A_50] : memref<32x125x1x80xi32, #tpu.memory_space<hbm>> -> memref<1x1x1x80xi32, #tpu.memory_space<hbm>>
    %dma_wait3A_52 = tpu.memref_squeeze %dma_wait3A_51 : memref<1x1x1x80xi32, #tpu.memory_space<hbm>> -> memref<80xi32, #tpu.memory_space<hbm>>
    %dma_wait3A_53 = arith.constant 0 : i32
    %dma_wait3A_54 = tpu.memref_slice %arg4[%add3A, %dma_wait3A_48, %dma_wait3A_49, %dma_wait3A_53] : memref<32x125x1x80xi32, #tpu.memory_space<hbm>> -> memref<1x1x1x80xi32, #tpu.memory_space<hbm>>
    %dma_wait3A_55 = tpu.memref_squeeze %dma_wait3A_54 : memref<1x1x1x80xi32, #tpu.memory_space<hbm>> -> memref<80xi32, #tpu.memory_space<hbm>>
    tpu.wait_dma2 semaphore(%arg15 : memref<!tpu.dma_semaphore, #tpu.memory_space<semaphore_mem>>) src(%dma_wait3A_55 : memref<80xi32, #tpu.memory_space<hbm>>) dst(%arg8 : memref<80xi32, #tpu.memory_space<vmem>>)
    %dma_start3A_56 = arith.constant 0 : i32
    %dma_start3A_57 = arith.constant 0 : i32
    %dma_start3A_58 = tpu.memref_slice %arg2[%dma_start3A_56, %dma_start3A_57] : memref<10000x128xf32, #tpu.memory_space<hbm>> -> memref<10000x128xf32, #tpu.memory_space<hbm>>
    tpu.enqueue_indirect_dma source(%dma_start3A_58 : memref<10000x128xf32, #tpu.memory_space<hbm>>) target(%arg10 : memref<80x128xf32, #tpu.memory_space<vmem>>) offsets(%arg6 : memref<80xi32, #tpu.memory_space<vmem>>) semaphore(%arg17 : memref<!tpu.dma_semaphore, #tpu.memory_space<semaphore_mem>>)
    %dma_wait3A_59 = arith.constant 0 : i32
    %dma_wait3A_60 = arith.constant 0 : i32
    %dma_wait3A_61 = tpu.memref_slice %arg2[%dma_wait3A_59, %dma_wait3A_60] : memref<10000x128xf32, #tpu.memory_space<hbm>> -> memref<10000x128xf32, #tpu.memory_space<hbm>>
    tpu.wait_indirect_dma semaphore(%arg17 : memref<!tpu.dma_semaphore, #tpu.memory_space<semaphore_mem>>) src(%dma_wait3A_61 : memref<10000x128xf32, #tpu.memory_space<hbm>>) dst(%arg10 : memref<80x128xf32, #tpu.memory_space<vmem>>)
    "tpu.region"() ({
      %run_scoped3A = tpu.sem_alloc : memref<!tpu.dma_semaphore, #tpu.memory_space<semaphore_mem>>
      %dma_start3A_68 = arith.constant 0 : i32
      %dma_start3A_69 = arith.constant 0 : i32
      %dma_start3A_70 = tpu.memref_slice %arg12[%dma_start3A_68, %dma_start3A_69] : memref<10000x128xf32, #tpu.memory_space<vmem_shared>> -> memref<10000x128xf32, #tpu.memory_space<vmem_shared>>
      tpu.enqueue_indirect_dma source(%arg10 : memref<80x128xf32, #tpu.memory_space<vmem>>) target(%dma_start3A_70 : memref<10000x128xf32, #tpu.memory_space<vmem_shared>>) offsets(%arg8 : memref<80xi32, #tpu.memory_space<vmem>>) semaphore(%run_scoped3A : memref<!tpu.dma_semaphore, #tpu.memory_space<semaphore_mem>>) {add = true}
      %dma_wait3A_71 = arith.constant 0 : i32
      %dma_wait3A_72 = arith.constant 0 : i32
      %dma_wait3A_73 = tpu.memref_slice %arg12[%dma_wait3A_71, %dma_wait3A_72] : memref<10000x128xf32, #tpu.memory_space<vmem_shared>> -> memref<10000x128xf32, #tpu.memory_space<vmem_shared>>
      tpu.wait_indirect_dma semaphore(%run_scoped3A : memref<!tpu.dma_semaphore, #tpu.memory_space<semaphore_mem>>) src(%arg10 : memref<80x128xf32, #tpu.memory_space<vmem>>) dst(%dma_wait3A_73 : memref<10000x128xf32, #tpu.memory_space<vmem_shared>>)
      tpu.yield
    }) : () -> ()
    %barrier3A_62 = arith.constant 0 : index
    tpu.barrier barrier_id(%barrier3A_62)
    "tpu.region"() ({
      %run_scoped3A = tpu.sem_alloc : memref<!tpu.dma_semaphore, #tpu.memory_space<semaphore_mem>>
      %dma_start3A_68 = arith.constant 0 : i32
      %dma_start3A_69 = tpu.memref_slice %arg5[%arg0, %mul3A_2, %dma_start3A_68] : memref<2x10000x128xf32, #tpu.memory_space<hbm>> -> memref<1x624x128xf32, #tpu.memory_space<hbm>>
      %dma_start3A_70 = tpu.memref_squeeze %dma_start3A_69 : memref<1x624x128xf32, #tpu.memory_space<hbm>> -> memref<624x128xf32, #tpu.memory_space<hbm>>
      %dma_start3A_71 = arith.constant 0 : i32
      %dma_start3A_72 = tpu.memref_slice %arg12[%mul3A_2, %dma_start3A_71] : memref<10000x128xf32, #tpu.memory_space<vmem_shared>> -> memref<624x128xf32, #tpu.memory_space<vmem_shared>>
      tpu.enqueue_dma source(%dma_start3A_72 : memref<624x128xf32, #tpu.memory_space<vmem_shared>>) target(%dma_start3A_70 : memref<624x128xf32, #tpu.memory_space<hbm>>) target_semaphore(%run_scoped3A : memref<!tpu.dma_semaphore, #tpu.memory_space<semaphore_mem>>)
      %dma_wait3A_73 = arith.constant 0 : i32
      %dma_wait3A_74 = tpu.memref_slice %arg5[%arg0, %mul3A_2, %dma_wait3A_73] : memref<2x10000x128xf32, #tpu.memory_space<hbm>> -> memref<1x624x128xf32, #tpu.memory_space<hbm>>
      %dma_wait3A_75 = tpu.memref_squeeze %dma_wait3A_74 : memref<1x624x128xf32, #tpu.memory_space<hbm>> -> memref<624x128xf32, #tpu.memory_space<hbm>>
      %dma_wait3A_76 = arith.constant 0 : i32
      %dma_wait3A_77 = tpu.memref_slice %arg12[%mul3A_2, %dma_wait3A_76] : memref<10000x128xf32, #tpu.memory_space<vmem_shared>> -> memref<624x128xf32, #tpu.memory_space<vmem_shared>>
      tpu.wait_dma2 semaphore(%run_scoped3A : memref<!tpu.dma_semaphore, #tpu.memory_space<semaphore_mem>>) src(%dma_wait3A_77 : memref<624x128xf32, #tpu.memory_space<vmem_shared>>) dst(%dma_wait3A_75 : memref<624x128xf32, #tpu.memory_space<hbm>>)
      tpu.yield
    }) : () -> ()
    %eq3A_63 = arith.constant 15 : i32
    %eq3A_64 = arith.cmpi eq, %arg1, %eq3A_63 : i32
    %convert_element_type3A_65 = arith.extui %eq3A_64 : i1 to i32
    %cond3A_66 = arith.constant 0 : i32
    %cond3A_67 = arith.cmpi ne, %convert_element_type3A_65, %cond3A_66 : i32
    scf.if %cond3A_67 {
      "tpu.region"() ({
        %run_scoped3A = tpu.sem_alloc : memref<!tpu.dma_semaphore, #tpu.memory_space<semaphore_mem>>
        %dma_start3A_68 = arith.constant 9984 : i32
        %dma_start3A_69 = arith.constant 0 : i32
        %dma_start3A_70 = tpu.memref_slice %arg5[%arg0, %dma_start3A_68, %dma_start3A_69] : memref<2x10000x128xf32, #tpu.memory_space<hbm>> -> memref<1x16x128xf32, #tpu.memory_space<hbm>>
        %dma_start3A_71 = tpu.memref_squeeze %dma_start3A_70 : memref<1x16x128xf32, #tpu.memory_space<hbm>> -> memref<16x128xf32, #tpu.memory_space<hbm>>
        %dma_start3A_72 = arith.constant 9984 : i32
        %dma_start3A_73 = arith.constant 0 : i32
        %dma_start3A_74 = tpu.memref_slice %arg12[%dma_start3A_72, %dma_start3A_73] : memref<10000x128xf32, #tpu.memory_space<vmem_shared>> -> memref<16x128xf32, #tpu.memory_space<vmem_shared>>
        tpu.enqueue_dma source(%dma_start3A_74 : memref<16x128xf32, #tpu.memory_space<vmem_shared>>) target(%dma_start3A_71 : memref<16x128xf32, #tpu.memory_space<hbm>>) target_semaphore(%run_scoped3A : memref<!tpu.dma_semaphore, #tpu.memory_space<semaphore_mem>>)
        %dma_wait3A_75 = arith.constant 9984 : i32
        %dma_wait3A_76 = arith.constant 0 : i32
        %dma_wait3A_77 = tpu.memref_slice %arg5[%arg0, %dma_wait3A_75, %dma_wait3A_76] : memref<2x10000x128xf32, #tpu.memory_space<hbm>> -> memref<1x16x128xf32, #tpu.memory_space<hbm>>
        %dma_wait3A_78 = tpu.memref_squeeze %dma_wait3A_77 : memref<1x16x128xf32, #tpu.memory_space<hbm>> -> memref<16x128xf32, #tpu.memory_space<hbm>>
        %dma_wait3A_79 = arith.constant 9984 : i32
        %dma_wait3A_80 = arith.constant 0 : i32
        %dma_wait3A_81 = tpu.memref_slice %arg12[%dma_wait3A_79, %dma_wait3A_80] : memref<10000x128xf32, #tpu.memory_space<vmem_shared>> -> memref<16x128xf32, #tpu.memory_space<vmem_shared>>
        tpu.wait_dma2 semaphore(%run_scoped3A : memref<!tpu.dma_semaphore, #tpu.memory_space<semaphore_mem>>) src(%dma_wait3A_81 : memref<16x128xf32, #tpu.memory_space<vmem_shared>>) dst(%dma_wait3A_78 : memref<16x128xf32, #tpu.memory_space<hbm>>)
        tpu.yield
      }) : () -> ()
    } else {
    }
    return
  }
}

#map = affine_map<(d0, d1) -> (0, 0, 0, 0)>
#map1 = affine_map<(d0, d1) -> (0, 0)>
#map2 = affine_map<(d0, d1) -> (0, 0, 0)>
module attributes {stable_mosaic.version = 14 : i64} {
  func.func @sc_degree(%arg0: i32, %arg1: i32, %arg2: memref<32x125x1x80xi32, #tpu.memory_space<hbm>>, %arg3: memref<10000x128xf32, #tpu.memory_space<hbm>>, %arg4: memref<2x10000x128xf32, #tpu.memory_space<hbm>>, %arg5: memref<80xi32, #tpu.memory_space<vmem>>, %arg6: memref<80xi32, #tpu.memory_space<vmem>>, %arg7: memref<80x128xf32, #tpu.memory_space<vmem>>, %arg8: memref<10000x128xf32, #tpu.memory_space<vmem_shared>>, %arg9: memref<!tpu.dma_semaphore, #tpu.memory_space<semaphore_mem>>, %arg10: memref<!tpu.dma_semaphore, #tpu.memory_space<semaphore_mem>>) attributes {dimension_semantics = [#tpu.dimension_semantics<core_parallel>, #tpu.dimension_semantics<subcore_parallel>], iteration_bounds = array<i64: 2, 16>, scalar_prefetch = 0 : i64, scratch_operands = 6 : i64, tpu.core_type = #tpu.core_type<sc_vector_subcore>, window_params = [{transform_indices = #map}, {transform_indices = #map1}, {transform_indices = #map2}]} {
    %mul3A = arith.constant 16 : i32
    %mul3A_0 = arith.muli %arg0, %mul3A : i32
    %add3A = arith.addi %mul3A_0, %arg1 : i32
    %mul3A_1 = arith.constant 624 : i32
    %mul3A_2 = arith.muli %arg1, %mul3A_1 : i32
    %mul3A_3 = arith.constant 624 : i32
    %mul3A_4 = arith.muli %arg1, %mul3A_3 : i32
    "tpu.region"() ({
      %run_scoped3A = tpu.sem_alloc : memref<!tpu.dma_semaphore, #tpu.memory_space<semaphore_mem>>
      %dma_start3A_44 = arith.constant 0 : i32
      %dma_start3A_45 = tpu.memref_slice %arg8[%mul3A_4, %dma_start3A_44] : memref<10000x128xf32, #tpu.memory_space<vmem_shared>> -> memref<624x128xf32, #tpu.memory_space<vmem_shared>>
      %dma_start3A_46 = arith.constant 0 : i32
      %dma_start3A_47 = tpu.memref_slice %arg3[%mul3A_2, %dma_start3A_46] : memref<10000x128xf32, #tpu.memory_space<hbm>> -> memref<624x128xf32, #tpu.memory_space<hbm>>
      tpu.enqueue_dma source(%dma_start3A_47 : memref<624x128xf32, #tpu.memory_space<hbm>>) target(%dma_start3A_45 : memref<624x128xf32, #tpu.memory_space<vmem_shared>>) target_semaphore(%run_scoped3A : memref<!tpu.dma_semaphore, #tpu.memory_space<semaphore_mem>>)
      %dma_wait3A_48 = arith.constant 0 : i32
      %dma_wait3A_49 = tpu.memref_slice %arg8[%mul3A_4, %dma_wait3A_48] : memref<10000x128xf32, #tpu.memory_space<vmem_shared>> -> memref<624x128xf32, #tpu.memory_space<vmem_shared>>
      %dma_wait3A_50 = arith.constant 0 : i32
      %dma_wait3A_51 = tpu.memref_slice %arg3[%mul3A_2, %dma_wait3A_50] : memref<10000x128xf32, #tpu.memory_space<hbm>> -> memref<624x128xf32, #tpu.memory_space<hbm>>
      tpu.wait_dma2 semaphore(%run_scoped3A : memref<!tpu.dma_semaphore, #tpu.memory_space<semaphore_mem>>) src(%dma_wait3A_51 : memref<624x128xf32, #tpu.memory_space<hbm>>) dst(%dma_wait3A_49 : memref<624x128xf32, #tpu.memory_space<vmem_shared>>)
      tpu.yield
    }) : () -> ()
    %eq3A = arith.constant 15 : i32
    %eq3A_5 = arith.cmpi eq, %arg1, %eq3A : i32
    %convert_element_type3A = arith.extui %eq3A_5 : i1 to i32
    %cond3A = arith.constant 0 : i32
    %cond3A_6 = arith.cmpi ne, %convert_element_type3A, %cond3A : i32
    scf.if %cond3A_6 {
      "tpu.region"() ({
        %run_scoped3A = tpu.sem_alloc : memref<!tpu.dma_semaphore, #tpu.memory_space<semaphore_mem>>
        %dma_start3A_44 = arith.constant 9984 : i32
        %dma_start3A_45 = arith.constant 0 : i32
        %dma_start3A_46 = tpu.memref_slice %arg8[%dma_start3A_44, %dma_start3A_45] : memref<10000x128xf32, #tpu.memory_space<vmem_shared>> -> memref<16x128xf32, #tpu.memory_space<vmem_shared>>
        %dma_start3A_47 = arith.constant 9984 : i32
        %dma_start3A_48 = arith.constant 0 : i32
        %dma_start3A_49 = tpu.memref_slice %arg3[%dma_start3A_47, %dma_start3A_48] : memref<10000x128xf32, #tpu.memory_space<hbm>> -> memref<16x128xf32, #tpu.memory_space<hbm>>
        tpu.enqueue_dma source(%dma_start3A_49 : memref<16x128xf32, #tpu.memory_space<hbm>>) target(%dma_start3A_46 : memref<16x128xf32, #tpu.memory_space<vmem_shared>>) target_semaphore(%run_scoped3A : memref<!tpu.dma_semaphore, #tpu.memory_space<semaphore_mem>>)
        %dma_wait3A_50 = arith.constant 9984 : i32
        %dma_wait3A_51 = arith.constant 0 : i32
        %dma_wait3A_52 = tpu.memref_slice %arg8[%dma_wait3A_50, %dma_wait3A_51] : memref<10000x128xf32, #tpu.memory_space<vmem_shared>> -> memref<16x128xf32, #tpu.memory_space<vmem_shared>>
        %dma_wait3A_53 = arith.constant 9984 : i32
        %dma_wait3A_54 = arith.constant 0 : i32
        %dma_wait3A_55 = tpu.memref_slice %arg3[%dma_wait3A_53, %dma_wait3A_54] : memref<10000x128xf32, #tpu.memory_space<hbm>> -> memref<16x128xf32, #tpu.memory_space<hbm>>
        tpu.wait_dma2 semaphore(%run_scoped3A : memref<!tpu.dma_semaphore, #tpu.memory_space<semaphore_mem>>) src(%dma_wait3A_55 : memref<16x128xf32, #tpu.memory_space<hbm>>) dst(%dma_wait3A_52 : memref<16x128xf32, #tpu.memory_space<vmem_shared>>)
        tpu.yield
      }) : () -> ()
    } else {
    }
    "tpu.region"() ({
      %run_scoped3A = tpu.sem_alloc : memref<!tpu.dma_semaphore, #tpu.memory_space<semaphore_mem>>
      %dma_start3A_44 = arith.constant 0 : i32
      %dma_start3A_45 = arith.constant 0 : i32
      %dma_start3A_46 = tpu.memref_slice %arg3[%dma_start3A_44, %dma_start3A_45] : memref<10000x128xf32, #tpu.memory_space<hbm>> -> memref<80x128xf32, #tpu.memory_space<hbm>>
      %dma_start3A_47 = arith.constant 0 : i32
      %dma_start3A_48 = arith.constant 0 : i32
      %dma_start3A_49 = tpu.memref_slice %arg3[%dma_start3A_47, %dma_start3A_48] : memref<10000x128xf32, #tpu.memory_space<hbm>> -> memref<80x128xf32, #tpu.memory_space<hbm>>
      tpu.enqueue_dma source(%dma_start3A_49 : memref<80x128xf32, #tpu.memory_space<hbm>>) target(%arg7 : memref<80x128xf32, #tpu.memory_space<vmem>>) target_semaphore(%run_scoped3A : memref<!tpu.dma_semaphore, #tpu.memory_space<semaphore_mem>>)
      %dma_wait3A_50 = arith.constant 0 : i32
      %dma_wait3A_51 = arith.constant 0 : i32
      %dma_wait3A_52 = tpu.memref_slice %arg3[%dma_wait3A_50, %dma_wait3A_51] : memref<10000x128xf32, #tpu.memory_space<hbm>> -> memref<80x128xf32, #tpu.memory_space<hbm>>
      %dma_wait3A_53 = arith.constant 0 : i32
      %dma_wait3A_54 = arith.constant 0 : i32
      %dma_wait3A_55 = tpu.memref_slice %arg3[%dma_wait3A_53, %dma_wait3A_54] : memref<10000x128xf32, #tpu.memory_space<hbm>> -> memref<80x128xf32, #tpu.memory_space<hbm>>
      tpu.wait_dma2 semaphore(%run_scoped3A : memref<!tpu.dma_semaphore, #tpu.memory_space<semaphore_mem>>) src(%dma_wait3A_55 : memref<80x128xf32, #tpu.memory_space<hbm>>) dst(%arg7 : memref<80x128xf32, #tpu.memory_space<vmem>>)
      tpu.yield
    }) : () -> ()
    %barrier3A = arith.constant 0 : index
    tpu.barrier barrier_id(%barrier3A)
    %dma_start3A = arith.constant 0 : i32
    %dma_start3A_7 = arith.constant 0 : i32
    %dma_start3A_8 = arith.constant 0 : i32
    %dma_start3A_9 = tpu.memref_slice %arg2[%add3A, %dma_start3A, %dma_start3A_7, %dma_start3A_8] : memref<32x125x1x80xi32, #tpu.memory_space<hbm>> -> memref<1x1x1x80xi32, #tpu.memory_space<hbm>>
    %dma_start3A_10 = tpu.memref_squeeze %dma_start3A_9 : memref<1x1x1x80xi32, #tpu.memory_space<hbm>> -> memref<80xi32, #tpu.memory_space<hbm>>
    %dma_start3A_11 = arith.constant 0 : i32
    %dma_start3A_12 = tpu.memref_slice %arg2[%add3A, %dma_start3A, %dma_start3A_7, %dma_start3A_11] : memref<32x125x1x80xi32, #tpu.memory_space<hbm>> -> memref<1x1x1x80xi32, #tpu.memory_space<hbm>>
    %dma_start3A_13 = tpu.memref_squeeze %dma_start3A_12 : memref<1x1x1x80xi32, #tpu.memory_space<hbm>> -> memref<80xi32, #tpu.memory_space<hbm>>
    tpu.enqueue_dma source(%dma_start3A_13 : memref<80xi32, #tpu.memory_space<hbm>>) target(%arg5 : memref<80xi32, #tpu.memory_space<vmem>>) target_semaphore(%arg9 : memref<!tpu.dma_semaphore, #tpu.memory_space<semaphore_mem>>)
    %dma_start3A_14 = arith.constant 1 : i32
    %dma_start3A_15 = arith.constant 0 : i32
    %dma_start3A_16 = arith.constant 0 : i32
    %dma_start3A_17 = tpu.memref_slice %arg2[%add3A, %dma_start3A_14, %dma_start3A_15, %dma_start3A_16] : memref<32x125x1x80xi32, #tpu.memory_space<hbm>> -> memref<1x1x1x80xi32, #tpu.memory_space<hbm>>
    %dma_start3A_18 = tpu.memref_squeeze %dma_start3A_17 : memref<1x1x1x80xi32, #tpu.memory_space<hbm>> -> memref<80xi32, #tpu.memory_space<hbm>>
    %dma_start3A_19 = arith.constant 0 : i32
    %dma_start3A_20 = tpu.memref_slice %arg2[%add3A, %dma_start3A_14, %dma_start3A_15, %dma_start3A_19] : memref<32x125x1x80xi32, #tpu.memory_space<hbm>> -> memref<1x1x1x80xi32, #tpu.memory_space<hbm>>
    %dma_start3A_21 = tpu.memref_squeeze %dma_start3A_20 : memref<1x1x1x80xi32, #tpu.memory_space<hbm>> -> memref<80xi32, #tpu.memory_space<hbm>>
    tpu.enqueue_dma source(%dma_start3A_21 : memref<80xi32, #tpu.memory_space<hbm>>) target(%arg6 : memref<80xi32, #tpu.memory_space<vmem>>) target_semaphore(%arg10 : memref<!tpu.dma_semaphore, #tpu.memory_space<semaphore_mem>>)
    %scan3A = arith.constant 0 : i32
    %scan3A_22 = arith.constant 0 : i32
    %scan3A_23 = arith.constant 62 : i32
    %scan3A_24 = arith.addi %scan3A_22, %scan3A_23 : i32
    %scan3A_25 = arith.constant 1 : i32
    scf.for %scan3A_44 = %scan3A_22 to %scan3A_24 step %scan3A_25  : i32 {
      %mul3A_45 = arith.constant 2 : i32
      %mul3A_46 = arith.muli %mul3A_45, %scan3A_44 : i32
      %dma_wait3A_47 = arith.constant 0 : i32
      %dma_wait3A_48 = arith.constant 0 : i32
      %dma_wait3A_49 = tpu.memref_slice %arg2[%add3A, %mul3A_46, %dma_wait3A_47, %dma_wait3A_48] : memref<32x125x1x80xi32, #tpu.memory_space<hbm>> -> memref<1x1x1x80xi32, #tpu.memory_space<hbm>>
      %dma_wait3A_50 = tpu.memref_squeeze %dma_wait3A_49 : memref<1x1x1x80xi32, #tpu.memory_space<hbm>> -> memref<80xi32, #tpu.memory_space<hbm>>
      %dma_wait3A_51 = arith.constant 0 : i32
      %dma_wait3A_52 = tpu.memref_slice %arg2[%add3A, %mul3A_46, %dma_wait3A_47, %dma_wait3A_51] : memref<32x125x1x80xi32, #tpu.memory_space<hbm>> -> memref<1x1x1x80xi32, #tpu.memory_space<hbm>>
      %dma_wait3A_53 = tpu.memref_squeeze %dma_wait3A_52 : memref<1x1x1x80xi32, #tpu.memory_space<hbm>> -> memref<80xi32, #tpu.memory_space<hbm>>
      tpu.wait_dma2 semaphore(%arg9 : memref<!tpu.dma_semaphore, #tpu.memory_space<semaphore_mem>>) src(%dma_wait3A_53 : memref<80xi32, #tpu.memory_space<hbm>>) dst(%arg5 : memref<80xi32, #tpu.memory_space<vmem>>)
      "tpu.region"() ({
        %run_scoped3A = tpu.sem_alloc : memref<!tpu.dma_semaphore, #tpu.memory_space<semaphore_mem>>
        %dma_start3A_76 = arith.constant 0 : i32
        %dma_start3A_77 = arith.constant 0 : i32
        %dma_start3A_78 = tpu.memref_slice %arg8[%dma_start3A_76, %dma_start3A_77] : memref<10000x128xf32, #tpu.memory_space<vmem_shared>> -> memref<10000x128xf32, #tpu.memory_space<vmem_shared>>
        tpu.enqueue_indirect_dma source(%arg7 : memref<80x128xf32, #tpu.memory_space<vmem>>) target(%dma_start3A_78 : memref<10000x128xf32, #tpu.memory_space<vmem_shared>>) offsets(%arg5 : memref<80xi32, #tpu.memory_space<vmem>>) semaphore(%run_scoped3A : memref<!tpu.dma_semaphore, #tpu.memory_space<semaphore_mem>>) {add = true}
        %dma_wait3A_79 = arith.constant 0 : i32
        %dma_wait3A_80 = arith.constant 0 : i32
        %dma_wait3A_81 = tpu.memref_slice %arg8[%dma_wait3A_79, %dma_wait3A_80] : memref<10000x128xf32, #tpu.memory_space<vmem_shared>> -> memref<10000x128xf32, #tpu.memory_space<vmem_shared>>
        tpu.wait_indirect_dma semaphore(%run_scoped3A : memref<!tpu.dma_semaphore, #tpu.memory_space<semaphore_mem>>) src(%arg7 : memref<80x128xf32, #tpu.memory_space<vmem>>) dst(%dma_wait3A_81 : memref<10000x128xf32, #tpu.memory_space<vmem_shared>>)
        tpu.yield
      }) : () -> ()
      %add3A_54 = arith.constant 2 : i32
      %add3A_55 = arith.addi %mul3A_46, %add3A_54 : i32
      %lt3A = arith.constant 125 : i32
      %lt3A_56 = arith.cmpi slt, %add3A_55, %lt3A : i32
      %convert_element_type3A_57 = arith.extui %lt3A_56 : i1 to i32
      %cond3A_58 = arith.constant 0 : i32
      %cond3A_59 = arith.cmpi ne, %convert_element_type3A_57, %cond3A_58 : i32
      scf.if %cond3A_59 {
        %add3A_76 = arith.constant 2 : i32
        %add3A_77 = arith.addi %mul3A_46, %add3A_76 : i32
        %dma_start3A_78 = arith.constant 0 : i32
        %dma_start3A_79 = arith.constant 0 : i32
        %dma_start3A_80 = tpu.memref_slice %arg2[%add3A, %add3A_77, %dma_start3A_78, %dma_start3A_79] : memref<32x125x1x80xi32, #tpu.memory_space<hbm>> -> memref<1x1x1x80xi32, #tpu.memory_space<hbm>>
        %dma_start3A_81 = tpu.memref_squeeze %dma_start3A_80 : memref<1x1x1x80xi32, #tpu.memory_space<hbm>> -> memref<80xi32, #tpu.memory_space<hbm>>
        %dma_start3A_82 = arith.constant 0 : i32
        %dma_start3A_83 = tpu.memref_slice %arg2[%add3A, %add3A_77, %dma_start3A_78, %dma_start3A_82] : memref<32x125x1x80xi32, #tpu.memory_space<hbm>> -> memref<1x1x1x80xi32, #tpu.memory_space<hbm>>
        %dma_start3A_84 = tpu.memref_squeeze %dma_start3A_83 : memref<1x1x1x80xi32, #tpu.memory_space<hbm>> -> memref<80xi32, #tpu.memory_space<hbm>>
        tpu.enqueue_dma source(%dma_start3A_84 : memref<80xi32, #tpu.memory_space<hbm>>) target(%arg5 : memref<80xi32, #tpu.memory_space<vmem>>) target_semaphore(%arg9 : memref<!tpu.dma_semaphore, #tpu.memory_space<semaphore_mem>>)
      } else {
      }
      %add3A_60 = arith.constant 1 : i32
      %add3A_61 = arith.addi %mul3A_46, %add3A_60 : i32
      %dma_wait3A_62 = arith.constant 0 : i32
      %dma_wait3A_63 = arith.constant 0 : i32
      %dma_wait3A_64 = tpu.memref_slice %arg2[%add3A, %add3A_61, %dma_wait3A_62, %dma_wait3A_63] : memref<32x125x1x80xi32, #tpu.memory_space<hbm>> -> memref<1x1x1x80xi32, #tpu.memory_space<hbm>>
      %dma_wait3A_65 = tpu.memref_squeeze %dma_wait3A_64 : memref<1x1x1x80xi32, #tpu.memory_space<hbm>> -> memref<80xi32, #tpu.memory_space<hbm>>
      %dma_wait3A_66 = arith.constant 0 : i32
      %dma_wait3A_67 = tpu.memref_slice %arg2[%add3A, %add3A_61, %dma_wait3A_62, %dma_wait3A_66] : memref<32x125x1x80xi32, #tpu.memory_space<hbm>> -> memref<1x1x1x80xi32, #tpu.memory_space<hbm>>
      %dma_wait3A_68 = tpu.memref_squeeze %dma_wait3A_67 : memref<1x1x1x80xi32, #tpu.memory_space<hbm>> -> memref<80xi32, #tpu.memory_space<hbm>>
      tpu.wait_dma2 semaphore(%arg10 : memref<!tpu.dma_semaphore, #tpu.memory_space<semaphore_mem>>) src(%dma_wait3A_68 : memref<80xi32, #tpu.memory_space<hbm>>) dst(%arg6 : memref<80xi32, #tpu.memory_space<vmem>>)
      "tpu.region"() ({
        %run_scoped3A = tpu.sem_alloc : memref<!tpu.dma_semaphore, #tpu.memory_space<semaphore_mem>>
        %dma_start3A_76 = arith.constant 0 : i32
        %dma_start3A_77 = arith.constant 0 : i32
        %dma_start3A_78 = tpu.memref_slice %arg8[%dma_start3A_76, %dma_start3A_77] : memref<10000x128xf32, #tpu.memory_space<vmem_shared>> -> memref<10000x128xf32, #tpu.memory_space<vmem_shared>>
        tpu.enqueue_indirect_dma source(%arg7 : memref<80x128xf32, #tpu.memory_space<vmem>>) target(%dma_start3A_78 : memref<10000x128xf32, #tpu.memory_space<vmem_shared>>) offsets(%arg6 : memref<80xi32, #tpu.memory_space<vmem>>) semaphore(%run_scoped3A : memref<!tpu.dma_semaphore, #tpu.memory_space<semaphore_mem>>) {add = true}
        %dma_wait3A_79 = arith.constant 0 : i32
        %dma_wait3A_80 = arith.constant 0 : i32
        %dma_wait3A_81 = tpu.memref_slice %arg8[%dma_wait3A_79, %dma_wait3A_80] : memref<10000x128xf32, #tpu.memory_space<vmem_shared>> -> memref<10000x128xf32, #tpu.memory_space<vmem_shared>>
        tpu.wait_indirect_dma semaphore(%run_scoped3A : memref<!tpu.dma_semaphore, #tpu.memory_space<semaphore_mem>>) src(%arg7 : memref<80x128xf32, #tpu.memory_space<vmem>>) dst(%dma_wait3A_81 : memref<10000x128xf32, #tpu.memory_space<vmem_shared>>)
        tpu.yield
      }) : () -> ()
      %add3A_69 = arith.constant 3 : i32
      %add3A_70 = arith.addi %mul3A_46, %add3A_69 : i32
      %lt3A_71 = arith.constant 125 : i32
      %lt3A_72 = arith.cmpi slt, %add3A_70, %lt3A_71 : i32
      %convert_element_type3A_73 = arith.extui %lt3A_72 : i1 to i32
      %cond3A_74 = arith.constant 0 : i32
      %cond3A_75 = arith.cmpi ne, %convert_element_type3A_73, %cond3A_74 : i32
      scf.if %cond3A_75 {
        %add3A_76 = arith.constant 3 : i32
        %add3A_77 = arith.addi %mul3A_46, %add3A_76 : i32
        %dma_start3A_78 = arith.constant 0 : i32
        %dma_start3A_79 = arith.constant 0 : i32
        %dma_start3A_80 = tpu.memref_slice %arg2[%add3A, %add3A_77, %dma_start3A_78, %dma_start3A_79] : memref<32x125x1x80xi32, #tpu.memory_space<hbm>> -> memref<1x1x1x80xi32, #tpu.memory_space<hbm>>
        %dma_start3A_81 = tpu.memref_squeeze %dma_start3A_80 : memref<1x1x1x80xi32, #tpu.memory_space<hbm>> -> memref<80xi32, #tpu.memory_space<hbm>>
        %dma_start3A_82 = arith.constant 0 : i32
        %dma_start3A_83 = tpu.memref_slice %arg2[%add3A, %add3A_77, %dma_start3A_78, %dma_start3A_82] : memref<32x125x1x80xi32, #tpu.memory_space<hbm>> -> memref<1x1x1x80xi32, #tpu.memory_space<hbm>>
        %dma_start3A_84 = tpu.memref_squeeze %dma_start3A_83 : memref<1x1x1x80xi32, #tpu.memory_space<hbm>> -> memref<80xi32, #tpu.memory_space<hbm>>
        tpu.enqueue_dma source(%dma_start3A_84 : memref<80xi32, #tpu.memory_space<hbm>>) target(%arg6 : memref<80xi32, #tpu.memory_space<vmem>>) target_semaphore(%arg10 : memref<!tpu.dma_semaphore, #tpu.memory_space<semaphore_mem>>)
      } else {
      }
    }
    %scan3A_26 = arith.constant 62 : i32
    %dma_wait3A = arith.constant 124 : i32
    %dma_wait3A_27 = arith.constant 0 : i32
    %dma_wait3A_28 = arith.constant 0 : i32
    %dma_wait3A_29 = tpu.memref_slice %arg2[%add3A, %dma_wait3A, %dma_wait3A_27, %dma_wait3A_28] : memref<32x125x1x80xi32, #tpu.memory_space<hbm>> -> memref<1x1x1x80xi32, #tpu.memory_space<hbm>>
    %dma_wait3A_30 = tpu.memref_squeeze %dma_wait3A_29 : memref<1x1x1x80xi32, #tpu.memory_space<hbm>> -> memref<80xi32, #tpu.memory_space<hbm>>
    %dma_wait3A_31 = arith.constant 0 : i32
    %dma_wait3A_32 = tpu.memref_slice %arg2[%add3A, %dma_wait3A, %dma_wait3A_27, %dma_wait3A_31] : memref<32x125x1x80xi32, #tpu.memory_space<hbm>> -> memref<1x1x1x80xi32, #tpu.memory_space<hbm>>
    %dma_wait3A_33 = tpu.memref_squeeze %dma_wait3A_32 : memref<1x1x1x80xi32, #tpu.memory_space<hbm>> -> memref<80xi32, #tpu.memory_space<hbm>>
    tpu.wait_dma2 semaphore(%arg9 : memref<!tpu.dma_semaphore, #tpu.memory_space<semaphore_mem>>) src(%dma_wait3A_33 : memref<80xi32, #tpu.memory_space<hbm>>) dst(%arg5 : memref<80xi32, #tpu.memory_space<vmem>>)
    "tpu.region"() ({
      %run_scoped3A = tpu.sem_alloc : memref<!tpu.dma_semaphore, #tpu.memory_space<semaphore_mem>>
      %dma_start3A_44 = arith.constant 0 : i32
      %dma_start3A_45 = arith.constant 0 : i32
      %dma_start3A_46 = tpu.memref_slice %arg8[%dma_start3A_44, %dma_start3A_45] : memref<10000x128xf32, #tpu.memory_space<vmem_shared>> -> memref<10000x128xf32, #tpu.memory_space<vmem_shared>>
      tpu.enqueue_indirect_dma source(%arg7 : memref<80x128xf32, #tpu.memory_space<vmem>>) target(%dma_start3A_46 : memref<10000x128xf32, #tpu.memory_space<vmem_shared>>) offsets(%arg5 : memref<80xi32, #tpu.memory_space<vmem>>) semaphore(%run_scoped3A : memref<!tpu.dma_semaphore, #tpu.memory_space<semaphore_mem>>) {add = true}
      %dma_wait3A_47 = arith.constant 0 : i32
      %dma_wait3A_48 = arith.constant 0 : i32
      %dma_wait3A_49 = tpu.memref_slice %arg8[%dma_wait3A_47, %dma_wait3A_48] : memref<10000x128xf32, #tpu.memory_space<vmem_shared>> -> memref<10000x128xf32, #tpu.memory_space<vmem_shared>>
      tpu.wait_indirect_dma semaphore(%run_scoped3A : memref<!tpu.dma_semaphore, #tpu.memory_space<semaphore_mem>>) src(%arg7 : memref<80x128xf32, #tpu.memory_space<vmem>>) dst(%dma_wait3A_49 : memref<10000x128xf32, #tpu.memory_space<vmem_shared>>)
      tpu.yield
    }) : () -> ()
    %barrier3A_34 = arith.constant 0 : index
    tpu.barrier barrier_id(%barrier3A_34)
    %mul3A_35 = arith.constant 624 : i32
    %mul3A_36 = arith.muli %arg1, %mul3A_35 : i32
    %mul3A_37 = arith.constant 624 : i32
    %mul3A_38 = arith.muli %arg1, %mul3A_37 : i32
    "tpu.region"() ({
      %run_scoped3A = tpu.sem_alloc : memref<!tpu.dma_semaphore, #tpu.memory_space<semaphore_mem>>
      %dma_start3A_44 = arith.constant 0 : i32
      %dma_start3A_45 = tpu.memref_slice %arg4[%arg0, %mul3A_38, %dma_start3A_44] : memref<2x10000x128xf32, #tpu.memory_space<hbm>> -> memref<1x624x128xf32, #tpu.memory_space<hbm>>
      %dma_start3A_46 = tpu.memref_squeeze %dma_start3A_45 : memref<1x624x128xf32, #tpu.memory_space<hbm>> -> memref<624x128xf32, #tpu.memory_space<hbm>>
      %dma_start3A_47 = arith.constant 0 : i32
      %dma_start3A_48 = tpu.memref_slice %arg8[%mul3A_36, %dma_start3A_47] : memref<10000x128xf32, #tpu.memory_space<vmem_shared>> -> memref<624x128xf32, #tpu.memory_space<vmem_shared>>
      tpu.enqueue_dma source(%dma_start3A_48 : memref<624x128xf32, #tpu.memory_space<vmem_shared>>) target(%dma_start3A_46 : memref<624x128xf32, #tpu.memory_space<hbm>>) target_semaphore(%run_scoped3A : memref<!tpu.dma_semaphore, #tpu.memory_space<semaphore_mem>>)
      %dma_wait3A_49 = arith.constant 0 : i32
      %dma_wait3A_50 = tpu.memref_slice %arg4[%arg0, %mul3A_38, %dma_wait3A_49] : memref<2x10000x128xf32, #tpu.memory_space<hbm>> -> memref<1x624x128xf32, #tpu.memory_space<hbm>>
      %dma_wait3A_51 = tpu.memref_squeeze %dma_wait3A_50 : memref<1x624x128xf32, #tpu.memory_space<hbm>> -> memref<624x128xf32, #tpu.memory_space<hbm>>
      %dma_wait3A_52 = arith.constant 0 : i32
      %dma_wait3A_53 = tpu.memref_slice %arg8[%mul3A_36, %dma_wait3A_52] : memref<10000x128xf32, #tpu.memory_space<vmem_shared>> -> memref<624x128xf32, #tpu.memory_space<vmem_shared>>
      tpu.wait_dma2 semaphore(%run_scoped3A : memref<!tpu.dma_semaphore, #tpu.memory_space<semaphore_mem>>) src(%dma_wait3A_53 : memref<624x128xf32, #tpu.memory_space<vmem_shared>>) dst(%dma_wait3A_51 : memref<624x128xf32, #tpu.memory_space<hbm>>)
      tpu.yield
    }) : () -> ()
    %eq3A_39 = arith.constant 15 : i32
    %eq3A_40 = arith.cmpi eq, %arg1, %eq3A_39 : i32
    %convert_element_type3A_41 = arith.extui %eq3A_40 : i1 to i32
    %cond3A_42 = arith.constant 0 : i32
    %cond3A_43 = arith.cmpi ne, %convert_element_type3A_41, %cond3A_42 : i32
    scf.if %cond3A_43 {
      "tpu.region"() ({
        %run_scoped3A = tpu.sem_alloc : memref<!tpu.dma_semaphore, #tpu.memory_space<semaphore_mem>>
        %dma_start3A_44 = arith.constant 9984 : i32
        %dma_start3A_45 = arith.constant 0 : i32
        %dma_start3A_46 = tpu.memref_slice %arg4[%arg0, %dma_start3A_44, %dma_start3A_45] : memref<2x10000x128xf32, #tpu.memory_space<hbm>> -> memref<1x16x128xf32, #tpu.memory_space<hbm>>
        %dma_start3A_47 = tpu.memref_squeeze %dma_start3A_46 : memref<1x16x128xf32, #tpu.memory_space<hbm>> -> memref<16x128xf32, #tpu.memory_space<hbm>>
        %dma_start3A_48 = arith.constant 9984 : i32
        %dma_start3A_49 = arith.constant 0 : i32
        %dma_start3A_50 = tpu.memref_slice %arg8[%dma_start3A_48, %dma_start3A_49] : memref<10000x128xf32, #tpu.memory_space<vmem_shared>> -> memref<16x128xf32, #tpu.memory_space<vmem_shared>>
        tpu.enqueue_dma source(%dma_start3A_50 : memref<16x128xf32, #tpu.memory_space<vmem_shared>>) target(%dma_start3A_47 : memref<16x128xf32, #tpu.memory_space<hbm>>) target_semaphore(%run_scoped3A : memref<!tpu.dma_semaphore, #tpu.memory_space<semaphore_mem>>)
        %dma_wait3A_51 = arith.constant 9984 : i32
        %dma_wait3A_52 = arith.constant 0 : i32
        %dma_wait3A_53 = tpu.memref_slice %arg4[%arg0, %dma_wait3A_51, %dma_wait3A_52] : memref<2x10000x128xf32, #tpu.memory_space<hbm>> -> memref<1x16x128xf32, #tpu.memory_space<hbm>>
        %dma_wait3A_54 = tpu.memref_squeeze %dma_wait3A_53 : memref<1x16x128xf32, #tpu.memory_space<hbm>> -> memref<16x128xf32, #tpu.memory_space<hbm>>
        %dma_wait3A_55 = arith.constant 9984 : i32
        %dma_wait3A_56 = arith.constant 0 : i32
        %dma_wait3A_57 = tpu.memref_slice %arg8[%dma_wait3A_55, %dma_wait3A_56] : memref<10000x128xf32, #tpu.memory_space<vmem_shared>> -> memref<16x128xf32, #tpu.memory_space<vmem_shared>>
        tpu.wait_dma2 semaphore(%run_scoped3A : memref<!tpu.dma_semaphore, #tpu.memory_space<semaphore_mem>>) src(%dma_wait3A_57 : memref<16x128xf32, #tpu.memory_space<vmem_shared>>) dst(%dma_wait3A_54 : memref<16x128xf32, #tpu.memory_space<hbm>>)
        tpu.yield
      }) : () -> ()
    } else {
    }
    return
  }
}

#map = affine_map<(d0, d1) -> (0, 0)>
#map1 = affine_map<(d0, d1) -> (0, 0, 0, 0)>
#map2 = affine_map<(d0, d1) -> (0, 0, 0)>
module attributes {stable_mosaic.version = 14 : i64} {
  func.func @sc_aggregate(%arg0: i32, %arg1: i32, %arg2: memref<10000x128xf32, #tpu.memory_space<hbm>>, %arg3: memref<32x125x1x80xi32, #tpu.memory_space<hbm>>, %arg4: memref<32x125x1x80xi32, #tpu.memory_space<hbm>>, %arg5: memref<2x10000x128xf32, #tpu.memory_space<hbm>>, %arg6: memref<80xi32, #tpu.memory_space<vmem>>, %arg7: memref<80xi32, #tpu.memory_space<vmem>>, %arg8: memref<80xi32, #tpu.memory_space<vmem>>, %arg9: memref<80xi32, #tpu.memory_space<vmem>>, %arg10: memref<80x128xf32, #tpu.memory_space<vmem>>, %arg11: memref<80x128xf32, #tpu.memory_space<vmem>>, %arg12: memref<10000x128xf32, #tpu.memory_space<vmem_shared>>, %arg13: memref<!tpu.dma_semaphore, #tpu.memory_space<semaphore_mem>>, %arg14: memref<!tpu.dma_semaphore, #tpu.memory_space<semaphore_mem>>, %arg15: memref<!tpu.dma_semaphore, #tpu.memory_space<semaphore_mem>>, %arg16: memref<!tpu.dma_semaphore, #tpu.memory_space<semaphore_mem>>, %arg17: memref<!tpu.dma_semaphore, #tpu.memory_space<semaphore_mem>>, %arg18: memref<!tpu.dma_semaphore, #tpu.memory_space<semaphore_mem>>, %arg19: memref<!tpu.dma_semaphore, #tpu.memory_space<semaphore_mem>>, %arg20: memref<!tpu.dma_semaphore, #tpu.memory_space<semaphore_mem>>) attributes {dimension_semantics = [#tpu.dimension_semantics<core_parallel>, #tpu.dimension_semantics<subcore_parallel>], iteration_bounds = array<i64: 2, 16>, scalar_prefetch = 0 : i64, scratch_operands = 15 : i64, tpu.core_type = #tpu.core_type<sc_vector_subcore>, window_params = [{transform_indices = #map}, {transform_indices = #map1}, {transform_indices = #map1}, {transform_indices = #map2}]} {
    %mul3A = arith.constant 16 : i32
    %mul3A_0 = arith.muli %arg0, %mul3A : i32
    %add3A = arith.addi %mul3A_0, %arg1 : i32
    %mul3A_1 = arith.constant 624 : i32
    %mul3A_2 = arith.muli %arg1, %mul3A_1 : i32
    "tpu.region"() ({
      %run_scoped3A = tpu.sem_alloc : memref<!tpu.dma_semaphore, #tpu.memory_space<semaphore_mem>>
      %dma_start3A_68 = arith.constant 0 : i32
      %dma_start3A_69 = tpu.memref_slice %arg12[%mul3A_2, %dma_start3A_68] : memref<10000x128xf32, #tpu.memory_space<vmem_shared>> -> memref<624x128xf32, #tpu.memory_space<vmem_shared>>
      %dma_start3A_70 = arith.constant 0 : i32
      %dma_start3A_71 = tpu.memref_slice %arg2[%mul3A_2, %dma_start3A_70] : memref<10000x128xf32, #tpu.memory_space<hbm>> -> memref<624x128xf32, #tpu.memory_space<hbm>>
      tpu.enqueue_dma source(%dma_start3A_71 : memref<624x128xf32, #tpu.memory_space<hbm>>) target(%dma_start3A_69 : memref<624x128xf32, #tpu.memory_space<vmem_shared>>) target_semaphore(%run_scoped3A : memref<!tpu.dma_semaphore, #tpu.memory_space<semaphore_mem>>)
      %dma_wait3A_72 = arith.constant 0 : i32
      %dma_wait3A_73 = tpu.memref_slice %arg12[%mul3A_2, %dma_wait3A_72] : memref<10000x128xf32, #tpu.memory_space<vmem_shared>> -> memref<624x128xf32, #tpu.memory_space<vmem_shared>>
      %dma_wait3A_74 = arith.constant 0 : i32
      %dma_wait3A_75 = tpu.memref_slice %arg2[%mul3A_2, %dma_wait3A_74] : memref<10000x128xf32, #tpu.memory_space<hbm>> -> memref<624x128xf32, #tpu.memory_space<hbm>>
      tpu.wait_dma2 semaphore(%run_scoped3A : memref<!tpu.dma_semaphore, #tpu.memory_space<semaphore_mem>>) src(%dma_wait3A_75 : memref<624x128xf32, #tpu.memory_space<hbm>>) dst(%dma_wait3A_73 : memref<624x128xf32, #tpu.memory_space<vmem_shared>>)
      tpu.yield
    }) : () -> ()
    %eq3A = arith.constant 15 : i32
    %eq3A_3 = arith.cmpi eq, %arg1, %eq3A : i32
    %convert_element_type3A = arith.extui %eq3A_3 : i1 to i32
    %cond3A = arith.constant 0 : i32
    %cond3A_4 = arith.cmpi ne, %convert_element_type3A, %cond3A : i32
    scf.if %cond3A_4 {
      "tpu.region"() ({
        %run_scoped3A = tpu.sem_alloc : memref<!tpu.dma_semaphore, #tpu.memory_space<semaphore_mem>>
        %dma_start3A_68 = arith.constant 9984 : i32
        %dma_start3A_69 = arith.constant 0 : i32
        %dma_start3A_70 = tpu.memref_slice %arg12[%dma_start3A_68, %dma_start3A_69] : memref<10000x128xf32, #tpu.memory_space<vmem_shared>> -> memref<16x128xf32, #tpu.memory_space<vmem_shared>>
        %dma_start3A_71 = arith.constant 9984 : i32
        %dma_start3A_72 = arith.constant 0 : i32
        %dma_start3A_73 = tpu.memref_slice %arg2[%dma_start3A_71, %dma_start3A_72] : memref<10000x128xf32, #tpu.memory_space<hbm>> -> memref<16x128xf32, #tpu.memory_space<hbm>>
        tpu.enqueue_dma source(%dma_start3A_73 : memref<16x128xf32, #tpu.memory_space<hbm>>) target(%dma_start3A_70 : memref<16x128xf32, #tpu.memory_space<vmem_shared>>) target_semaphore(%run_scoped3A : memref<!tpu.dma_semaphore, #tpu.memory_space<semaphore_mem>>)
        %dma_wait3A_74 = arith.constant 9984 : i32
        %dma_wait3A_75 = arith.constant 0 : i32
        %dma_wait3A_76 = tpu.memref_slice %arg12[%dma_wait3A_74, %dma_wait3A_75] : memref<10000x128xf32, #tpu.memory_space<vmem_shared>> -> memref<16x128xf32, #tpu.memory_space<vmem_shared>>
        %dma_wait3A_77 = arith.constant 9984 : i32
        %dma_wait3A_78 = arith.constant 0 : i32
        %dma_wait3A_79 = tpu.memref_slice %arg2[%dma_wait3A_77, %dma_wait3A_78] : memref<10000x128xf32, #tpu.memory_space<hbm>> -> memref<16x128xf32, #tpu.memory_space<hbm>>
        tpu.wait_dma2 semaphore(%run_scoped3A : memref<!tpu.dma_semaphore, #tpu.memory_space<semaphore_mem>>) src(%dma_wait3A_79 : memref<16x128xf32, #tpu.memory_space<hbm>>) dst(%dma_wait3A_76 : memref<16x128xf32, #tpu.memory_space<vmem_shared>>)
        tpu.yield
      }) : () -> ()
    } else {
    }
    %barrier3A = arith.constant 0 : index
    tpu.barrier barrier_id(%barrier3A)
    %dma_start3A = arith.constant 0 : i32
    %dma_start3A_5 = arith.constant 0 : i32
    %dma_start3A_6 = arith.constant 0 : i32
    %dma_start3A_7 = tpu.memref_slice %arg3[%add3A, %dma_start3A, %dma_start3A_5, %dma_start3A_6] : memref<32x125x1x80xi32, #tpu.memory_space<hbm>> -> memref<1x1x1x80xi32, #tpu.memory_space<hbm>>
    %dma_start3A_8 = tpu.memref_squeeze %dma_start3A_7 : memref<1x1x1x80xi32, #tpu.memory_space<hbm>> -> memref<80xi32, #tpu.memory_space<hbm>>
    %dma_start3A_9 = arith.constant 0 : i32
    %dma_start3A_10 = tpu.memref_slice %arg3[%add3A, %dma_start3A, %dma_start3A_5, %dma_start3A_9] : memref<32x125x1x80xi32, #tpu.memory_space<hbm>> -> memref<1x1x1x80xi32, #tpu.memory_space<hbm>>
    %dma_start3A_11 = tpu.memref_squeeze %dma_start3A_10 : memref<1x1x1x80xi32, #tpu.memory_space<hbm>> -> memref<80xi32, #tpu.memory_space<hbm>>
    tpu.enqueue_dma source(%dma_start3A_11 : memref<80xi32, #tpu.memory_space<hbm>>) target(%arg6 : memref<80xi32, #tpu.memory_space<vmem>>) target_semaphore(%arg13 : memref<!tpu.dma_semaphore, #tpu.memory_space<semaphore_mem>>)
    %dma_start3A_12 = arith.constant 0 : i32
    %dma_start3A_13 = arith.constant 0 : i32
    %dma_start3A_14 = arith.constant 0 : i32
    %dma_start3A_15 = tpu.memref_slice %arg4[%add3A, %dma_start3A_12, %dma_start3A_13, %dma_start3A_14] : memref<32x125x1x80xi32, #tpu.memory_space<hbm>> -> memref<1x1x1x80xi32, #tpu.memory_space<hbm>>
    %dma_start3A_16 = tpu.memref_squeeze %dma_start3A_15 : memref<1x1x1x80xi32, #tpu.memory_space<hbm>> -> memref<80xi32, #tpu.memory_space<hbm>>
    %dma_start3A_17 = arith.constant 0 : i32
    %dma_start3A_18 = tpu.memref_slice %arg4[%add3A, %dma_start3A_12, %dma_start3A_13, %dma_start3A_17] : memref<32x125x1x80xi32, #tpu.memory_space<hbm>> -> memref<1x1x1x80xi32, #tpu.memory_space<hbm>>
    %dma_start3A_19 = tpu.memref_squeeze %dma_start3A_18 : memref<1x1x1x80xi32, #tpu.memory_space<hbm>> -> memref<80xi32, #tpu.memory_space<hbm>>
    tpu.enqueue_dma source(%dma_start3A_19 : memref<80xi32, #tpu.memory_space<hbm>>) target(%arg8 : memref<80xi32, #tpu.memory_space<vmem>>) target_semaphore(%arg15 : memref<!tpu.dma_semaphore, #tpu.memory_space<semaphore_mem>>)
    %dma_start3A_20 = arith.constant 1 : i32
    %dma_start3A_21 = arith.constant 0 : i32
    %dma_start3A_22 = arith.constant 0 : i32
    %dma_start3A_23 = tpu.memref_slice %arg3[%add3A, %dma_start3A_20, %dma_start3A_21, %dma_start3A_22] : memref<32x125x1x80xi32, #tpu.memory_space<hbm>> -> memref<1x1x1x80xi32, #tpu.memory_space<hbm>>
    %dma_start3A_24 = tpu.memref_squeeze %dma_start3A_23 : memref<1x1x1x80xi32, #tpu.memory_space<hbm>> -> memref<80xi32, #tpu.memory_space<hbm>>
    %dma_start3A_25 = arith.constant 0 : i32
    %dma_start3A_26 = tpu.memref_slice %arg3[%add3A, %dma_start3A_20, %dma_start3A_21, %dma_start3A_25] : memref<32x125x1x80xi32, #tpu.memory_space<hbm>> -> memref<1x1x1x80xi32, #tpu.memory_space<hbm>>
    %dma_start3A_27 = tpu.memref_squeeze %dma_start3A_26 : memref<1x1x1x80xi32, #tpu.memory_space<hbm>> -> memref<80xi32, #tpu.memory_space<hbm>>
    tpu.enqueue_dma source(%dma_start3A_27 : memref<80xi32, #tpu.memory_space<hbm>>) target(%arg7 : memref<80xi32, #tpu.memory_space<vmem>>) target_semaphore(%arg14 : memref<!tpu.dma_semaphore, #tpu.memory_space<semaphore_mem>>)
    %dma_start3A_28 = arith.constant 1 : i32
    %dma_start3A_29 = arith.constant 0 : i32
    %dma_start3A_30 = arith.constant 0 : i32
    %dma_start3A_31 = tpu.memref_slice %arg4[%add3A, %dma_start3A_28, %dma_start3A_29, %dma_start3A_30] : memref<32x125x1x80xi32, #tpu.memory_space<hbm>> -> memref<1x1x1x80xi32, #tpu.memory_space<hbm>>
    %dma_start3A_32 = tpu.memref_squeeze %dma_start3A_31 : memref<1x1x1x80xi32, #tpu.memory_space<hbm>> -> memref<80xi32, #tpu.memory_space<hbm>>
    %dma_start3A_33 = arith.constant 0 : i32
    %dma_start3A_34 = tpu.memref_slice %arg4[%add3A, %dma_start3A_28, %dma_start3A_29, %dma_start3A_33] : memref<32x125x1x80xi32, #tpu.memory_space<hbm>> -> memref<1x1x1x80xi32, #tpu.memory_space<hbm>>
    %dma_start3A_35 = tpu.memref_squeeze %dma_start3A_34 : memref<1x1x1x80xi32, #tpu.memory_space<hbm>> -> memref<80xi32, #tpu.memory_space<hbm>>
    tpu.enqueue_dma source(%dma_start3A_35 : memref<80xi32, #tpu.memory_space<hbm>>) target(%arg9 : memref<80xi32, #tpu.memory_space<vmem>>) target_semaphore(%arg16 : memref<!tpu.dma_semaphore, #tpu.memory_space<semaphore_mem>>)
    %scan3A = arith.constant 0 : i32
    %scan3A_36 = arith.constant 0 : i32
    %scan3A_37 = arith.constant 62 : i32
    %scan3A_38 = arith.addi %scan3A_36, %scan3A_37 : i32
    %scan3A_39 = arith.constant 1 : i32
    scf.for %scan3A_68 = %scan3A_36 to %scan3A_38 step %scan3A_39  : i32 {
      %mul3A_69 = arith.constant 2 : i32
      %mul3A_70 = arith.muli %mul3A_69, %scan3A_68 : i32
      %dma_wait3A_71 = arith.constant 0 : i32
      %dma_wait3A_72 = arith.constant 0 : i32
      %dma_wait3A_73 = tpu.memref_slice %arg3[%add3A, %mul3A_70, %dma_wait3A_71, %dma_wait3A_72] : memref<32x125x1x80xi32, #tpu.memory_space<hbm>> -> memref<1x1x1x80xi32, #tpu.memory_space<hbm>>
      %dma_wait3A_74 = tpu.memref_squeeze %dma_wait3A_73 : memref<1x1x1x80xi32, #tpu.memory_space<hbm>> -> memref<80xi32, #tpu.memory_space<hbm>>
      %dma_wait3A_75 = arith.constant 0 : i32
      %dma_wait3A_76 = tpu.memref_slice %arg3[%add3A, %mul3A_70, %dma_wait3A_71, %dma_wait3A_75] : memref<32x125x1x80xi32, #tpu.memory_space<hbm>> -> memref<1x1x1x80xi32, #tpu.memory_space<hbm>>
      %dma_wait3A_77 = tpu.memref_squeeze %dma_wait3A_76 : memref<1x1x1x80xi32, #tpu.memory_space<hbm>> -> memref<80xi32, #tpu.memory_space<hbm>>
      tpu.wait_dma2 semaphore(%arg13 : memref<!tpu.dma_semaphore, #tpu.memory_space<semaphore_mem>>) src(%dma_wait3A_77 : memref<80xi32, #tpu.memory_space<hbm>>) dst(%arg6 : memref<80xi32, #tpu.memory_space<vmem>>)
      %dma_start3A_78 = arith.constant 0 : i32
      %dma_start3A_79 = arith.constant 0 : i32
      %dma_start3A_80 = tpu.memref_slice %arg2[%dma_start3A_78, %dma_start3A_79] : memref<10000x128xf32, #tpu.memory_space<hbm>> -> memref<10000x128xf32, #tpu.memory_space<hbm>>
      tpu.enqueue_indirect_dma source(%dma_start3A_80 : memref<10000x128xf32, #tpu.memory_space<hbm>>) target(%arg10 : memref<80x128xf32, #tpu.memory_space<vmem>>) offsets(%arg6 : memref<80xi32, #tpu.memory_space<vmem>>) semaphore(%arg17 : memref<!tpu.dma_semaphore, #tpu.memory_space<semaphore_mem>>)
      %add3A_81 = arith.constant 1 : i32
      %add3A_82 = arith.addi %mul3A_70, %add3A_81 : i32
      %dma_wait3A_83 = arith.constant 0 : i32
      %dma_wait3A_84 = arith.constant 0 : i32
      %dma_wait3A_85 = tpu.memref_slice %arg3[%add3A, %add3A_82, %dma_wait3A_83, %dma_wait3A_84] : memref<32x125x1x80xi32, #tpu.memory_space<hbm>> -> memref<1x1x1x80xi32, #tpu.memory_space<hbm>>
      %dma_wait3A_86 = tpu.memref_squeeze %dma_wait3A_85 : memref<1x1x1x80xi32, #tpu.memory_space<hbm>> -> memref<80xi32, #tpu.memory_space<hbm>>
      %dma_wait3A_87 = arith.constant 0 : i32
      %dma_wait3A_88 = tpu.memref_slice %arg3[%add3A, %add3A_82, %dma_wait3A_83, %dma_wait3A_87] : memref<32x125x1x80xi32, #tpu.memory_space<hbm>> -> memref<1x1x1x80xi32, #tpu.memory_space<hbm>>
      %dma_wait3A_89 = tpu.memref_squeeze %dma_wait3A_88 : memref<1x1x1x80xi32, #tpu.memory_space<hbm>> -> memref<80xi32, #tpu.memory_space<hbm>>
      tpu.wait_dma2 semaphore(%arg14 : memref<!tpu.dma_semaphore, #tpu.memory_space<semaphore_mem>>) src(%dma_wait3A_89 : memref<80xi32, #tpu.memory_space<hbm>>) dst(%arg7 : memref<80xi32, #tpu.memory_space<vmem>>)
      %dma_start3A_90 = arith.constant 0 : i32
      %dma_start3A_91 = arith.constant 0 : i32
      %dma_start3A_92 = tpu.memref_slice %arg2[%dma_start3A_90, %dma_start3A_91] : memref<10000x128xf32, #tpu.memory_space<hbm>> -> memref<10000x128xf32, #tpu.memory_space<hbm>>
      tpu.enqueue_indirect_dma source(%dma_start3A_92 : memref<10000x128xf32, #tpu.memory_space<hbm>>) target(%arg11 : memref<80x128xf32, #tpu.memory_space<vmem>>) offsets(%arg7 : memref<80xi32, #tpu.memory_space<vmem>>) semaphore(%arg18 : memref<!tpu.dma_semaphore, #tpu.memory_space<semaphore_mem>>)
      %dma_wait3A_93 = arith.constant 0 : i32
      %dma_wait3A_94 = arith.constant 0 : i32
      %dma_wait3A_95 = tpu.memref_slice %arg4[%add3A, %mul3A_70, %dma_wait3A_93, %dma_wait3A_94] : memref<32x125x1x80xi32, #tpu.memory_space<hbm>> -> memref<1x1x1x80xi32, #tpu.memory_space<hbm>>
      %dma_wait3A_96 = tpu.memref_squeeze %dma_wait3A_95 : memref<1x1x1x80xi32, #tpu.memory_space<hbm>> -> memref<80xi32, #tpu.memory_space<hbm>>
      %dma_wait3A_97 = arith.constant 0 : i32
      %dma_wait3A_98 = tpu.memref_slice %arg4[%add3A, %mul3A_70, %dma_wait3A_93, %dma_wait3A_97] : memref<32x125x1x80xi32, #tpu.memory_space<hbm>> -> memref<1x1x1x80xi32, #tpu.memory_space<hbm>>
      %dma_wait3A_99 = tpu.memref_squeeze %dma_wait3A_98 : memref<1x1x1x80xi32, #tpu.memory_space<hbm>> -> memref<80xi32, #tpu.memory_space<hbm>>
      tpu.wait_dma2 semaphore(%arg15 : memref<!tpu.dma_semaphore, #tpu.memory_space<semaphore_mem>>) src(%dma_wait3A_99 : memref<80xi32, #tpu.memory_space<hbm>>) dst(%arg8 : memref<80xi32, #tpu.memory_space<vmem>>)
      %dma_wait3A_100 = arith.constant 0 : i32
      %dma_wait3A_101 = arith.constant 0 : i32
      %dma_wait3A_102 = tpu.memref_slice %arg2[%dma_wait3A_100, %dma_wait3A_101] : memref<10000x128xf32, #tpu.memory_space<hbm>> -> memref<10000x128xf32, #tpu.memory_space<hbm>>
      tpu.wait_indirect_dma semaphore(%arg17 : memref<!tpu.dma_semaphore, #tpu.memory_space<semaphore_mem>>) src(%dma_wait3A_102 : memref<10000x128xf32, #tpu.memory_space<hbm>>) dst(%arg10 : memref<80x128xf32, #tpu.memory_space<vmem>>)
      "tpu.region"() ({
        %run_scoped3A = tpu.sem_alloc : memref<!tpu.dma_semaphore, #tpu.memory_space<semaphore_mem>>
        %dma_start3A_128 = arith.constant 0 : i32
        %dma_start3A_129 = arith.constant 0 : i32
        %dma_start3A_130 = tpu.memref_slice %arg12[%dma_start3A_128, %dma_start3A_129] : memref<10000x128xf32, #tpu.memory_space<vmem_shared>> -> memref<10000x128xf32, #tpu.memory_space<vmem_shared>>
        tpu.enqueue_indirect_dma source(%arg10 : memref<80x128xf32, #tpu.memory_space<vmem>>) target(%dma_start3A_130 : memref<10000x128xf32, #tpu.memory_space<vmem_shared>>) offsets(%arg8 : memref<80xi32, #tpu.memory_space<vmem>>) semaphore(%run_scoped3A : memref<!tpu.dma_semaphore, #tpu.memory_space<semaphore_mem>>) {add = true}
        %dma_wait3A_131 = arith.constant 0 : i32
        %dma_wait3A_132 = arith.constant 0 : i32
        %dma_wait3A_133 = tpu.memref_slice %arg12[%dma_wait3A_131, %dma_wait3A_132] : memref<10000x128xf32, #tpu.memory_space<vmem_shared>> -> memref<10000x128xf32, #tpu.memory_space<vmem_shared>>
        tpu.wait_indirect_dma semaphore(%run_scoped3A : memref<!tpu.dma_semaphore, #tpu.memory_space<semaphore_mem>>) src(%arg10 : memref<80x128xf32, #tpu.memory_space<vmem>>) dst(%dma_wait3A_133 : memref<10000x128xf32, #tpu.memory_space<vmem_shared>>)
        tpu.yield
      }) : () -> ()
      %add3A_103 = arith.constant 2 : i32
      %add3A_104 = arith.addi %mul3A_70, %add3A_103 : i32
      %lt3A = arith.constant 125 : i32
      %lt3A_105 = arith.cmpi slt, %add3A_104, %lt3A : i32
      %convert_element_type3A_106 = arith.extui %lt3A_105 : i1 to i32
      %cond3A_107 = arith.constant 0 : i32
      %cond3A_108 = arith.cmpi ne, %convert_element_type3A_106, %cond3A_107 : i32
      scf.if %cond3A_108 {
        %add3A_128 = arith.constant 2 : i32
        %add3A_129 = arith.addi %mul3A_70, %add3A_128 : i32
        %dma_start3A_130 = arith.constant 0 : i32
        %dma_start3A_131 = arith.constant 0 : i32
        %dma_start3A_132 = tpu.memref_slice %arg3[%add3A, %add3A_129, %dma_start3A_130, %dma_start3A_131] : memref<32x125x1x80xi32, #tpu.memory_space<hbm>> -> memref<1x1x1x80xi32, #tpu.memory_space<hbm>>
        %dma_start3A_133 = tpu.memref_squeeze %dma_start3A_132 : memref<1x1x1x80xi32, #tpu.memory_space<hbm>> -> memref<80xi32, #tpu.memory_space<hbm>>
        %dma_start3A_134 = arith.constant 0 : i32
        %dma_start3A_135 = tpu.memref_slice %arg3[%add3A, %add3A_129, %dma_start3A_130, %dma_start3A_134] : memref<32x125x1x80xi32, #tpu.memory_space<hbm>> -> memref<1x1x1x80xi32, #tpu.memory_space<hbm>>
        %dma_start3A_136 = tpu.memref_squeeze %dma_start3A_135 : memref<1x1x1x80xi32, #tpu.memory_space<hbm>> -> memref<80xi32, #tpu.memory_space<hbm>>
        tpu.enqueue_dma source(%dma_start3A_136 : memref<80xi32, #tpu.memory_space<hbm>>) target(%arg6 : memref<80xi32, #tpu.memory_space<vmem>>) target_semaphore(%arg13 : memref<!tpu.dma_semaphore, #tpu.memory_space<semaphore_mem>>)
        %add3A_137 = arith.constant 2 : i32
        %add3A_138 = arith.addi %mul3A_70, %add3A_137 : i32
        %dma_start3A_139 = arith.constant 0 : i32
        %dma_start3A_140 = arith.constant 0 : i32
        %dma_start3A_141 = tpu.memref_slice %arg4[%add3A, %add3A_138, %dma_start3A_139, %dma_start3A_140] : memref<32x125x1x80xi32, #tpu.memory_space<hbm>> -> memref<1x1x1x80xi32, #tpu.memory_space<hbm>>
        %dma_start3A_142 = tpu.memref_squeeze %dma_start3A_141 : memref<1x1x1x80xi32, #tpu.memory_space<hbm>> -> memref<80xi32, #tpu.memory_space<hbm>>
        %dma_start3A_143 = arith.constant 0 : i32
        %dma_start3A_144 = tpu.memref_slice %arg4[%add3A, %add3A_138, %dma_start3A_139, %dma_start3A_143] : memref<32x125x1x80xi32, #tpu.memory_space<hbm>> -> memref<1x1x1x80xi32, #tpu.memory_space<hbm>>
        %dma_start3A_145 = tpu.memref_squeeze %dma_start3A_144 : memref<1x1x1x80xi32, #tpu.memory_space<hbm>> -> memref<80xi32, #tpu.memory_space<hbm>>
        tpu.enqueue_dma source(%dma_start3A_145 : memref<80xi32, #tpu.memory_space<hbm>>) target(%arg8 : memref<80xi32, #tpu.memory_space<vmem>>) target_semaphore(%arg15 : memref<!tpu.dma_semaphore, #tpu.memory_space<semaphore_mem>>)
      } else {
      }
      %add3A_109 = arith.constant 1 : i32
      %add3A_110 = arith.addi %mul3A_70, %add3A_109 : i32
      %dma_wait3A_111 = arith.constant 0 : i32
      %dma_wait3A_112 = arith.constant 0 : i32
      %dma_wait3A_113 = tpu.memref_slice %arg4[%add3A, %add3A_110, %dma_wait3A_111, %dma_wait3A_112] : memref<32x125x1x80xi32, #tpu.memory_space<hbm>> -> memref<1x1x1x80xi32, #tpu.memory_space<hbm>>
      %dma_wait3A_114 = tpu.memref_squeeze %dma_wait3A_113 : memref<1x1x1x80xi32, #tpu.memory_space<hbm>> -> memref<80xi32, #tpu.memory_space<hbm>>
      %dma_wait3A_115 = arith.constant 0 : i32
      %dma_wait3A_116 = tpu.memref_slice %arg4[%add3A, %add3A_110, %dma_wait3A_111, %dma_wait3A_115] : memref<32x125x1x80xi32, #tpu.memory_space<hbm>> -> memref<1x1x1x80xi32, #tpu.memory_space<hbm>>
      %dma_wait3A_117 = tpu.memref_squeeze %dma_wait3A_116 : memref<1x1x1x80xi32, #tpu.memory_space<hbm>> -> memref<80xi32, #tpu.memory_space<hbm>>
      tpu.wait_dma2 semaphore(%arg16 : memref<!tpu.dma_semaphore, #tpu.memory_space<semaphore_mem>>) src(%dma_wait3A_117 : memref<80xi32, #tpu.memory_space<hbm>>) dst(%arg9 : memref<80xi32, #tpu.memory_space<vmem>>)
      %dma_wait3A_118 = arith.constant 0 : i32
      %dma_wait3A_119 = arith.constant 0 : i32
      %dma_wait3A_120 = tpu.memref_slice %arg2[%dma_wait3A_118, %dma_wait3A_119] : memref<10000x128xf32, #tpu.memory_space<hbm>> -> memref<10000x128xf32, #tpu.memory_space<hbm>>
      tpu.wait_indirect_dma semaphore(%arg18 : memref<!tpu.dma_semaphore, #tpu.memory_space<semaphore_mem>>) src(%dma_wait3A_120 : memref<10000x128xf32, #tpu.memory_space<hbm>>) dst(%arg11 : memref<80x128xf32, #tpu.memory_space<vmem>>)
      "tpu.region"() ({
        %run_scoped3A = tpu.sem_alloc : memref<!tpu.dma_semaphore, #tpu.memory_space<semaphore_mem>>
        %dma_start3A_128 = arith.constant 0 : i32
        %dma_start3A_129 = arith.constant 0 : i32
        %dma_start3A_130 = tpu.memref_slice %arg12[%dma_start3A_128, %dma_start3A_129] : memref<10000x128xf32, #tpu.memory_space<vmem_shared>> -> memref<10000x128xf32, #tpu.memory_space<vmem_shared>>
        tpu.enqueue_indirect_dma source(%arg11 : memref<80x128xf32, #tpu.memory_space<vmem>>) target(%dma_start3A_130 : memref<10000x128xf32, #tpu.memory_space<vmem_shared>>) offsets(%arg9 : memref<80xi32, #tpu.memory_space<vmem>>) semaphore(%run_scoped3A : memref<!tpu.dma_semaphore, #tpu.memory_space<semaphore_mem>>) {add = true}
        %dma_wait3A_131 = arith.constant 0 : i32
        %dma_wait3A_132 = arith.constant 0 : i32
        %dma_wait3A_133 = tpu.memref_slice %arg12[%dma_wait3A_131, %dma_wait3A_132] : memref<10000x128xf32, #tpu.memory_space<vmem_shared>> -> memref<10000x128xf32, #tpu.memory_space<vmem_shared>>
        tpu.wait_indirect_dma semaphore(%run_scoped3A : memref<!tpu.dma_semaphore, #tpu.memory_space<semaphore_mem>>) src(%arg11 : memref<80x128xf32, #tpu.memory_space<vmem>>) dst(%dma_wait3A_133 : memref<10000x128xf32, #tpu.memory_space<vmem_shared>>)
        tpu.yield
      }) : () -> ()
      %add3A_121 = arith.constant 3 : i32
      %add3A_122 = arith.addi %mul3A_70, %add3A_121 : i32
      %lt3A_123 = arith.constant 125 : i32
      %lt3A_124 = arith.cmpi slt, %add3A_122, %lt3A_123 : i32
      %convert_element_type3A_125 = arith.extui %lt3A_124 : i1 to i32
      %cond3A_126 = arith.constant 0 : i32
      %cond3A_127 = arith.cmpi ne, %convert_element_type3A_125, %cond3A_126 : i32
      scf.if %cond3A_127 {
        %add3A_128 = arith.constant 3 : i32
        %add3A_129 = arith.addi %mul3A_70, %add3A_128 : i32
        %dma_start3A_130 = arith.constant 0 : i32
        %dma_start3A_131 = arith.constant 0 : i32
        %dma_start3A_132 = tpu.memref_slice %arg3[%add3A, %add3A_129, %dma_start3A_130, %dma_start3A_131] : memref<32x125x1x80xi32, #tpu.memory_space<hbm>> -> memref<1x1x1x80xi32, #tpu.memory_space<hbm>>
        %dma_start3A_133 = tpu.memref_squeeze %dma_start3A_132 : memref<1x1x1x80xi32, #tpu.memory_space<hbm>> -> memref<80xi32, #tpu.memory_space<hbm>>
        %dma_start3A_134 = arith.constant 0 : i32
        %dma_start3A_135 = tpu.memref_slice %arg3[%add3A, %add3A_129, %dma_start3A_130, %dma_start3A_134] : memref<32x125x1x80xi32, #tpu.memory_space<hbm>> -> memref<1x1x1x80xi32, #tpu.memory_space<hbm>>
        %dma_start3A_136 = tpu.memref_squeeze %dma_start3A_135 : memref<1x1x1x80xi32, #tpu.memory_space<hbm>> -> memref<80xi32, #tpu.memory_space<hbm>>
        tpu.enqueue_dma source(%dma_start3A_136 : memref<80xi32, #tpu.memory_space<hbm>>) target(%arg7 : memref<80xi32, #tpu.memory_space<vmem>>) target_semaphore(%arg14 : memref<!tpu.dma_semaphore, #tpu.memory_space<semaphore_mem>>)
        %add3A_137 = arith.constant 3 : i32
        %add3A_138 = arith.addi %mul3A_70, %add3A_137 : i32
        %dma_start3A_139 = arith.constant 0 : i32
        %dma_start3A_140 = arith.constant 0 : i32
        %dma_start3A_141 = tpu.memref_slice %arg4[%add3A, %add3A_138, %dma_start3A_139, %dma_start3A_140] : memref<32x125x1x80xi32, #tpu.memory_space<hbm>> -> memref<1x1x1x80xi32, #tpu.memory_space<hbm>>
        %dma_start3A_142 = tpu.memref_squeeze %dma_start3A_141 : memref<1x1x1x80xi32, #tpu.memory_space<hbm>> -> memref<80xi32, #tpu.memory_space<hbm>>
        %dma_start3A_143 = arith.constant 0 : i32
        %dma_start3A_144 = tpu.memref_slice %arg4[%add3A, %add3A_138, %dma_start3A_139, %dma_start3A_143] : memref<32x125x1x80xi32, #tpu.memory_space<hbm>> -> memref<1x1x1x80xi32, #tpu.memory_space<hbm>>
        %dma_start3A_145 = tpu.memref_squeeze %dma_start3A_144 : memref<1x1x1x80xi32, #tpu.memory_space<hbm>> -> memref<80xi32, #tpu.memory_space<hbm>>
        tpu.enqueue_dma source(%dma_start3A_145 : memref<80xi32, #tpu.memory_space<hbm>>) target(%arg9 : memref<80xi32, #tpu.memory_space<vmem>>) target_semaphore(%arg16 : memref<!tpu.dma_semaphore, #tpu.memory_space<semaphore_mem>>)
      } else {
      }
    }
    %scan3A_40 = arith.constant 62 : i32
    %dma_wait3A = arith.constant 124 : i32
    %dma_wait3A_41 = arith.constant 0 : i32
    %dma_wait3A_42 = arith.constant 0 : i32
    %dma_wait3A_43 = tpu.memref_slice %arg3[%add3A, %dma_wait3A, %dma_wait3A_41, %dma_wait3A_42] : memref<32x125x1x80xi32, #tpu.memory_space<hbm>> -> memref<1x1x1x80xi32, #tpu.memory_space<hbm>>
    %dma_wait3A_44 = tpu.memref_squeeze %dma_wait3A_43 : memref<1x1x1x80xi32, #tpu.memory_space<hbm>> -> memref<80xi32, #tpu.memory_space<hbm>>
    %dma_wait3A_45 = arith.constant 0 : i32
    %dma_wait3A_46 = tpu.memref_slice %arg3[%add3A, %dma_wait3A, %dma_wait3A_41, %dma_wait3A_45] : memref<32x125x1x80xi32, #tpu.memory_space<hbm>> -> memref<1x1x1x80xi32, #tpu.memory_space<hbm>>
    %dma_wait3A_47 = tpu.memref_squeeze %dma_wait3A_46 : memref<1x1x1x80xi32, #tpu.memory_space<hbm>> -> memref<80xi32, #tpu.memory_space<hbm>>
    tpu.wait_dma2 semaphore(%arg13 : memref<!tpu.dma_semaphore, #tpu.memory_space<semaphore_mem>>) src(%dma_wait3A_47 : memref<80xi32, #tpu.memory_space<hbm>>) dst(%arg6 : memref<80xi32, #tpu.memory_space<vmem>>)
    %dma_wait3A_48 = arith.constant 124 : i32
    %dma_wait3A_49 = arith.constant 0 : i32
    %dma_wait3A_50 = arith.constant 0 : i32
    %dma_wait3A_51 = tpu.memref_slice %arg4[%add3A, %dma_wait3A_48, %dma_wait3A_49, %dma_wait3A_50] : memref<32x125x1x80xi32, #tpu.memory_space<hbm>> -> memref<1x1x1x80xi32, #tpu.memory_space<hbm>>
    %dma_wait3A_52 = tpu.memref_squeeze %dma_wait3A_51 : memref<1x1x1x80xi32, #tpu.memory_space<hbm>> -> memref<80xi32, #tpu.memory_space<hbm>>
    %dma_wait3A_53 = arith.constant 0 : i32
    %dma_wait3A_54 = tpu.memref_slice %arg4[%add3A, %dma_wait3A_48, %dma_wait3A_49, %dma_wait3A_53] : memref<32x125x1x80xi32, #tpu.memory_space<hbm>> -> memref<1x1x1x80xi32, #tpu.memory_space<hbm>>
    %dma_wait3A_55 = tpu.memref_squeeze %dma_wait3A_54 : memref<1x1x1x80xi32, #tpu.memory_space<hbm>> -> memref<80xi32, #tpu.memory_space<hbm>>
    tpu.wait_dma2 semaphore(%arg15 : memref<!tpu.dma_semaphore, #tpu.memory_space<semaphore_mem>>) src(%dma_wait3A_55 : memref<80xi32, #tpu.memory_space<hbm>>) dst(%arg8 : memref<80xi32, #tpu.memory_space<vmem>>)
    %dma_start3A_56 = arith.constant 0 : i32
    %dma_start3A_57 = arith.constant 0 : i32
    %dma_start3A_58 = tpu.memref_slice %arg2[%dma_start3A_56, %dma_start3A_57] : memref<10000x128xf32, #tpu.memory_space<hbm>> -> memref<10000x128xf32, #tpu.memory_space<hbm>>
    tpu.enqueue_indirect_dma source(%dma_start3A_58 : memref<10000x128xf32, #tpu.memory_space<hbm>>) target(%arg10 : memref<80x128xf32, #tpu.memory_space<vmem>>) offsets(%arg6 : memref<80xi32, #tpu.memory_space<vmem>>) semaphore(%arg17 : memref<!tpu.dma_semaphore, #tpu.memory_space<semaphore_mem>>)
    %dma_wait3A_59 = arith.constant 0 : i32
    %dma_wait3A_60 = arith.constant 0 : i32
    %dma_wait3A_61 = tpu.memref_slice %arg2[%dma_wait3A_59, %dma_wait3A_60] : memref<10000x128xf32, #tpu.memory_space<hbm>> -> memref<10000x128xf32, #tpu.memory_space<hbm>>
    tpu.wait_indirect_dma semaphore(%arg17 : memref<!tpu.dma_semaphore, #tpu.memory_space<semaphore_mem>>) src(%dma_wait3A_61 : memref<10000x128xf32, #tpu.memory_space<hbm>>) dst(%arg10 : memref<80x128xf32, #tpu.memory_space<vmem>>)
    "tpu.region"() ({
      %run_scoped3A = tpu.sem_alloc : memref<!tpu.dma_semaphore, #tpu.memory_space<semaphore_mem>>
      %dma_start3A_68 = arith.constant 0 : i32
      %dma_start3A_69 = arith.constant 0 : i32
      %dma_start3A_70 = tpu.memref_slice %arg12[%dma_start3A_68, %dma_start3A_69] : memref<10000x128xf32, #tpu.memory_space<vmem_shared>> -> memref<10000x128xf32, #tpu.memory_space<vmem_shared>>
      tpu.enqueue_indirect_dma source(%arg10 : memref<80x128xf32, #tpu.memory_space<vmem>>) target(%dma_start3A_70 : memref<10000x128xf32, #tpu.memory_space<vmem_shared>>) offsets(%arg8 : memref<80xi32, #tpu.memory_space<vmem>>) semaphore(%run_scoped3A : memref<!tpu.dma_semaphore, #tpu.memory_space<semaphore_mem>>) {add = true}
      %dma_wait3A_71 = arith.constant 0 : i32
      %dma_wait3A_72 = arith.constant 0 : i32
      %dma_wait3A_73 = tpu.memref_slice %arg12[%dma_wait3A_71, %dma_wait3A_72] : memref<10000x128xf32, #tpu.memory_space<vmem_shared>> -> memref<10000x128xf32, #tpu.memory_space<vmem_shared>>
      tpu.wait_indirect_dma semaphore(%run_scoped3A : memref<!tpu.dma_semaphore, #tpu.memory_space<semaphore_mem>>) src(%arg10 : memref<80x128xf32, #tpu.memory_space<vmem>>) dst(%dma_wait3A_73 : memref<10000x128xf32, #tpu.memory_space<vmem_shared>>)
      tpu.yield
    }) : () -> ()
    %barrier3A_62 = arith.constant 0 : index
    tpu.barrier barrier_id(%barrier3A_62)
    "tpu.region"() ({
      %run_scoped3A = tpu.sem_alloc : memref<!tpu.dma_semaphore, #tpu.memory_space<semaphore_mem>>
      %dma_start3A_68 = arith.constant 0 : i32
      %dma_start3A_69 = tpu.memref_slice %arg5[%arg0, %mul3A_2, %dma_start3A_68] : memref<2x10000x128xf32, #tpu.memory_space<hbm>> -> memref<1x624x128xf32, #tpu.memory_space<hbm>>
      %dma_start3A_70 = tpu.memref_squeeze %dma_start3A_69 : memref<1x624x128xf32, #tpu.memory_space<hbm>> -> memref<624x128xf32, #tpu.memory_space<hbm>>
      %dma_start3A_71 = arith.constant 0 : i32
      %dma_start3A_72 = tpu.memref_slice %arg12[%mul3A_2, %dma_start3A_71] : memref<10000x128xf32, #tpu.memory_space<vmem_shared>> -> memref<624x128xf32, #tpu.memory_space<vmem_shared>>
      tpu.enqueue_dma source(%dma_start3A_72 : memref<624x128xf32, #tpu.memory_space<vmem_shared>>) target(%dma_start3A_70 : memref<624x128xf32, #tpu.memory_space<hbm>>) target_semaphore(%run_scoped3A : memref<!tpu.dma_semaphore, #tpu.memory_space<semaphore_mem>>)
      %dma_wait3A_73 = arith.constant 0 : i32
      %dma_wait3A_74 = tpu.memref_slice %arg5[%arg0, %mul3A_2, %dma_wait3A_73] : memref<2x10000x128xf32, #tpu.memory_space<hbm>> -> memref<1x624x128xf32, #tpu.memory_space<hbm>>
      %dma_wait3A_75 = tpu.memref_squeeze %dma_wait3A_74 : memref<1x624x128xf32, #tpu.memory_space<hbm>> -> memref<624x128xf32, #tpu.memory_space<hbm>>
      %dma_wait3A_76 = arith.constant 0 : i32
      %dma_wait3A_77 = tpu.memref_slice %arg12[%mul3A_2, %dma_wait3A_76] : memref<10000x128xf32, #tpu.memory_space<vmem_shared>> -> memref<624x128xf32, #tpu.memory_space<vmem_shared>>
      tpu.wait_dma2 semaphore(%run_scoped3A : memref<!tpu.dma_semaphore, #tpu.memory_space<semaphore_mem>>) src(%dma_wait3A_77 : memref<624x128xf32, #tpu.memory_space<vmem_shared>>) dst(%dma_wait3A_75 : memref<624x128xf32, #tpu.memory_space<hbm>>)
      tpu.yield
    }) : () -> ()
    %eq3A_63 = arith.constant 15 : i32
    %eq3A_64 = arith.cmpi eq, %arg1, %eq3A_63 : i32
    %convert_element_type3A_65 = arith.extui %eq3A_64 : i1 to i32
    %cond3A_66 = arith.constant 0 : i32
    %cond3A_67 = arith.cmpi ne, %convert_element_type3A_65, %cond3A_66 : i32
    scf.if %cond3A_67 {
      "tpu.region"() ({
        %run_scoped3A = tpu.sem_alloc : memref<!tpu.dma_semaphore, #tpu.memory_space<semaphore_mem>>
        %dma_start3A_68 = arith.constant 9984 : i32
        %dma_start3A_69 = arith.constant 0 : i32
        %dma_start3A_70 = tpu.memref_slice %arg5[%arg0, %dma_start3A_68, %dma_start3A_69] : memref<2x10000x128xf32, #tpu.memory_space<hbm>> -> memref<1x16x128xf32, #tpu.memory_space<hbm>>
        %dma_start3A_71 = tpu.memref_squeeze %dma_start3A_70 : memref<1x16x128xf32, #tpu.memory_space<hbm>> -> memref<16x128xf32, #tpu.memory_space<hbm>>
        %dma_start3A_72 = arith.constant 9984 : i32
        %dma_start3A_73 = arith.constant 0 : i32
        %dma_start3A_74 = tpu.memref_slice %arg12[%dma_start3A_72, %dma_start3A_73] : memref<10000x128xf32, #tpu.memory_space<vmem_shared>> -> memref<16x128xf32, #tpu.memory_space<vmem_shared>>
        tpu.enqueue_dma source(%dma_start3A_74 : memref<16x128xf32, #tpu.memory_space<vmem_shared>>) target(%dma_start3A_71 : memref<16x128xf32, #tpu.memory_space<hbm>>) target_semaphore(%run_scoped3A : memref<!tpu.dma_semaphore, #tpu.memory_space<semaphore_mem>>)
        %dma_wait3A_75 = arith.constant 9984 : i32
        %dma_wait3A_76 = arith.constant 0 : i32
        %dma_wait3A_77 = tpu.memref_slice %arg5[%arg0, %dma_wait3A_75, %dma_wait3A_76] : memref<2x10000x128xf32, #tpu.memory_space<hbm>> -> memref<1x16x128xf32, #tpu.memory_space<hbm>>
        %dma_wait3A_78 = tpu.memref_squeeze %dma_wait3A_77 : memref<1x16x128xf32, #tpu.memory_space<hbm>> -> memref<16x128xf32, #tpu.memory_space<hbm>>
        %dma_wait3A_79 = arith.constant 9984 : i32
        %dma_wait3A_80 = arith.constant 0 : i32
        %dma_wait3A_81 = tpu.memref_slice %arg12[%dma_wait3A_79, %dma_wait3A_80] : memref<10000x128xf32, #tpu.memory_space<vmem_shared>> -> memref<16x128xf32, #tpu.memory_space<vmem_shared>>
        tpu.wait_dma2 semaphore(%run_scoped3A : memref<!tpu.dma_semaphore, #tpu.memory_space<semaphore_mem>>) src(%dma_wait3A_81 : memref<16x128xf32, #tpu.memory_space<vmem_shared>>) dst(%dma_wait3A_78 : memref<16x128xf32, #tpu.memory_space<hbm>>)
        tpu.yield
      }) : () -> ()
    } else {
    }
    return
  }
}

module attributes {stable_mosaic.version = 14 : i64} {
  func.func @_tc_scale_body(%arg0: i32, %arg1: memref<1000x2xf32, #tpu.memory_space<vmem>>, %arg2: memref<1000x128xf32, #tpu.memory_space<vmem>>, %arg3: memref<1000x128xf32, #tpu.memory_space<vmem>>, %arg4: memref<1000x1xf32, #tpu.memory_space<vmem>>) attributes {dimension_semantics = [#tpu.dimension_semantics<arbitrary>], iteration_bounds = array<i64: 10>, scalar_prefetch = 0 : i64, scratch_operands = 0 : i64, tpu.core_type = #tpu.core_type<tc>, window_params = [{transform_indices = @transform_0, window_bounds = array<i64: 1000, 2>}, {transform_indices = @transform_1, window_bounds = array<i64: 1000, 128>}, {transform_indices = @transform_2, window_bounds = array<i64: 1000, 128>}, {transform_indices = @transform_3, window_bounds = array<i64: 1000, 1>}]} {
    %get3A = arith.constant 0 : index
    %get3A_0 = arith.constant 0 : index
    %get3A_1 = vector.load %arg1[%get3A, %get3A_0] : memref<1000x2xf32, #tpu.memory_space<vmem>>, vector<1000x1xf32>
    %get3A_2 = arith.constant 0 : index
    %get3A_3 = arith.constant 1 : index
    %get3A_4 = vector.load %arg1[%get3A_2, %get3A_3] : memref<1000x2xf32, #tpu.memory_space<vmem>>, vector<1000x1xf32>
    %add3A = arith.addf %get3A_1, %get3A_4 : vector<1000x1xf32>
    %sub3A = arith.constant 1.000000e+00 : f32
    %sub3A_5 = vector.broadcast %sub3A : f32 to vector<1000x1xf32>
    %sub3A_6 = arith.subf %add3A, %sub3A_5 : vector<1000x1xf32>
    %rsqrt3A = math.rsqrt %sub3A_6 : vector<1000x1xf32>
    %swap3A = arith.constant 0 : index
    %swap3A_7 = arith.constant 0 : index
    %swap3A_8 = vector.load %arg4[%swap3A, %swap3A_7] : memref<1000x1xf32, #tpu.memory_space<vmem>>, vector<1000x1xf32>
    tpu.vector_store %arg4[%swap3A, %swap3A_7], %rsqrt3A {strides = array<i32>} : memref<1000x1xf32, #tpu.memory_space<vmem>>, vector<1000x1xf32>,
    %get3A_9 = arith.constant 0 : index
    %get3A_10 = arith.constant 0 : index
    %get3A_11 = vector.load %arg2[%get3A_9, %get3A_10] : memref<1000x128xf32, #tpu.memory_space<vmem>>, vector<1000x128xf32>
    %mul3A = vector.broadcast %rsqrt3A : vector<1000x1xf32> to vector<1000x128xf32>
    %mul3A_12 = arith.mulf %get3A_11, %mul3A : vector<1000x128xf32>
    %swap3A_13 = arith.constant 0 : index
    %swap3A_14 = arith.constant 0 : index
    %swap3A_15 = vector.load %arg3[%swap3A_13, %swap3A_14] : memref<1000x128xf32, #tpu.memory_space<vmem>>, vector<1000x128xf32>
    tpu.vector_store %arg3[%swap3A_13, %swap3A_14], %mul3A_12 {strides = array<i32>} : memref<1000x128xf32, #tpu.memory_space<vmem>>, vector<1000x128xf32>,
    return
  }
  func.func @transform_0(%arg0: i32) -> (i32, i32) {
    %c0_i32 = arith.constant 0 : i32
    %c0_i32_0 = arith.constant 0 : i32
    return %arg0, %c0_i32 : i32, i32
  }
  func.func @transform_1(%arg0: i32) -> (i32, i32) {
    %c0_i32 = arith.constant 0 : i32
    %c0_i32_0 = arith.constant 0 : i32
    return %arg0, %c0_i32 : i32, i32
  }
  func.func @transform_2(%arg0: i32) -> (i32, i32) {
    %c0_i32 = arith.constant 0 : i32
    %c0_i32_0 = arith.constant 0 : i32
    return %arg0, %c0_i32 : i32, i32
  }
  func.func @transform_3(%arg0: i32) -> (i32, i32) {
    %c0_i32 = arith.constant 0 : i32
    %c0_i32_0 = arith.constant 0 : i32
    return %arg0, %c0_i32 : i32, i32
  }
}

module attributes {stable_mosaic.version = 14 : i64} {
  func.func @_tc_mid_body(%arg0: i32, %arg1: memref<1000x1xf32, #tpu.memory_space<vmem>>, %arg2: memref<1000x128xf32, #tpu.memory_space<vmem>>, %arg3: memref<1000x128xf32, #tpu.memory_space<vmem>>, %arg4: memref<1000x128xf32, #tpu.memory_space<vmem>>, %arg5: memref<128x128xf32, #tpu.memory_space<vmem>>, %arg6: memref<1x128xf32, #tpu.memory_space<vmem>>, %arg7: memref<128x128xf32, #tpu.memory_space<vmem>>, %arg8: memref<1000x128xf32, #tpu.memory_space<vmem>>) attributes {dimension_semantics = [#tpu.dimension_semantics<arbitrary>], iteration_bounds = array<i64: 10>, scalar_prefetch = 0 : i64, scratch_operands = 0 : i64, tpu.core_type = #tpu.core_type<tc>, window_params = [{transform_indices = @transform_0, window_bounds = array<i64: 1000, 1>}, {transform_indices = @transform_1, window_bounds = array<i64: 1000, 128>}, {transform_indices = @transform_2, window_bounds = array<i64: 1000, 128>}, {transform_indices = @transform_3, window_bounds = array<i64: 1000, 128>}, {pipeline_mode = #tpu.pipeline_mode<synchronous>, transform_indices = @transform_4, window_bounds = array<i64: 128, 128>}, {pipeline_mode = #tpu.pipeline_mode<synchronous>, transform_indices = @transform_5, window_bounds = array<i64: 1, 128>}, {pipeline_mode = #tpu.pipeline_mode<synchronous>, transform_indices = @transform_6, window_bounds = array<i64: 128, 128>}, {transform_indices = @transform_7, window_bounds = array<i64: 1000, 128>}]} {
    %get3A = arith.constant 0 : index
    %get3A_0 = arith.constant 0 : index
    %get3A_1 = vector.load %arg1[%get3A, %get3A_0] : memref<1000x1xf32, #tpu.memory_space<vmem>>, vector<1000x1xf32>
    %get3A_2 = arith.constant 0 : index
    %get3A_3 = arith.constant 0 : index
    %get3A_4 = vector.load %arg3[%get3A_2, %get3A_3] : memref<1000x128xf32, #tpu.memory_space<vmem>>, vector<1000x128xf32>
    %get3A_5 = arith.constant 0 : index
    %get3A_6 = arith.constant 0 : index
    %get3A_7 = vector.load %arg4[%get3A_5, %get3A_6] : memref<1000x128xf32, #tpu.memory_space<vmem>>, vector<1000x128xf32>
    %add3A = arith.addf %get3A_4, %get3A_7 : vector<1000x128xf32>
    %get3A_8 = arith.constant 0 : index
    %get3A_9 = arith.constant 0 : index
    %get3A_10 = vector.load %arg2[%get3A_8, %get3A_9] : memref<1000x128xf32, #tpu.memory_space<vmem>>, vector<1000x128xf32>
    %sub3A = arith.subf %add3A, %get3A_10 : vector<1000x128xf32>
    %mul3A = vector.broadcast %get3A_1 : vector<1000x1xf32> to vector<1000x128xf32>
    %mul3A_11 = arith.mulf %sub3A, %mul3A : vector<1000x128xf32>
    %get3A_12 = arith.constant 0 : index
    %get3A_13 = arith.constant 0 : index
    %get3A_14 = vector.load %arg5[%get3A_12, %get3A_13] : memref<128x128xf32, #tpu.memory_space<vmem>>, vector<128x128xf32>
    %dot_general3A = arith.constant dense<0.000000e+00> : vector<1000x128xf32>
    %dot_general3A_15 = tpu.matmul %mul3A_11, %get3A_14, %dot_general3A {dimension_numbers = #tpu.dot_dimension_numbers<[1], [0], [0], [1], [0, 0, 1, 1], [], []>, transpose_lhs_hint = false} : vector<1000x128xf32>, vector<128x128xf32>, vector<1000x128xf32> -> vector<1000x128xf32>
    %get3A_16 = arith.constant 0 : index
    %get3A_17 = arith.constant 0 : index
    %get3A_18 = vector.load %arg6[%get3A_16, %get3A_17] : memref<1x128xf32, #tpu.memory_space<vmem>>, vector<1x128xf32>
    %add3A_19 = vector.broadcast %get3A_18 : vector<1x128xf32> to vector<1000x128xf32>
    %add3A_20 = arith.addf %dot_general3A_15, %add3A_19 : vector<1000x128xf32>
    %max3A = arith.constant 0.000000e+00 : f32
    %max3A_21 = vector.broadcast %max3A : f32 to vector<1000x128xf32>
    %max3A_22 = arith.maximumf %add3A_20, %max3A_21 : vector<1000x128xf32>
    %get3A_23 = arith.constant 0 : index
    %get3A_24 = arith.constant 0 : index
    %get3A_25 = vector.load %arg7[%get3A_23, %get3A_24] : memref<128x128xf32, #tpu.memory_space<vmem>>, vector<128x128xf32>
    %dot_general3A_26 = arith.constant dense<0.000000e+00> : vector<1000x128xf32>
    %dot_general3A_27 = tpu.matmul %max3A_22, %get3A_25, %dot_general3A_26 {dimension_numbers = #tpu.dot_dimension_numbers<[1], [0], [0], [1], [0, 0, 1, 1], [], []>, transpose_lhs_hint = false} : vector<1000x128xf32>, vector<128x128xf32>, vector<1000x128xf32> -> vector<1000x128xf32>
    %mul3A_28 = vector.broadcast %get3A_1 : vector<1000x1xf32> to vector<1000x128xf32>
    %mul3A_29 = arith.mulf %dot_general3A_27, %mul3A_28 : vector<1000x128xf32>
    %swap3A = arith.constant 0 : index
    %swap3A_30 = arith.constant 0 : index
    %swap3A_31 = vector.load %arg8[%swap3A, %swap3A_30] : memref<1000x128xf32, #tpu.memory_space<vmem>>, vector<1000x128xf32>
    tpu.vector_store %arg8[%swap3A, %swap3A_30], %mul3A_29 {strides = array<i32>} : memref<1000x128xf32, #tpu.memory_space<vmem>>, vector<1000x128xf32>,
    return
  }
  func.func @transform_0(%arg0: i32) -> (i32, i32) {
    %c0_i32 = arith.constant 0 : i32
    %c0_i32_0 = arith.constant 0 : i32
    return %arg0, %c0_i32 : i32, i32
  }
  func.func @transform_1(%arg0: i32) -> (i32, i32) {
    %c0_i32 = arith.constant 0 : i32
    %c0_i32_0 = arith.constant 0 : i32
    return %arg0, %c0_i32 : i32, i32
  }
  func.func @transform_2(%arg0: i32) -> (i32, i32) {
    %c0_i32 = arith.constant 0 : i32
    %c0_i32_0 = arith.constant 0 : i32
    return %arg0, %c0_i32 : i32, i32
  }
  func.func @transform_3(%arg0: i32) -> (i32, i32) {
    %c0_i32 = arith.constant 0 : i32
    %c0_i32_0 = arith.constant 0 : i32
    return %arg0, %c0_i32 : i32, i32
  }
  func.func @transform_4(%arg0: i32) -> (i32, i32) {
    %c0_i32 = arith.constant 0 : i32
    %c0_i32_0 = arith.constant 0 : i32
    %c0_i32_1 = arith.constant 0 : i32
    return %c0_i32, %c0_i32_0 : i32, i32
  }
  func.func @transform_5(%arg0: i32) -> (i32, i32) {
    %c0_i32 = arith.constant 0 : i32
    %c0_i32_0 = arith.constant 0 : i32
    %c0_i32_1 = arith.constant 0 : i32
    return %c0_i32, %c0_i32_0 : i32, i32
  }
  func.func @transform_6(%arg0: i32) -> (i32, i32) {
    %c0_i32 = arith.constant 0 : i32
    %c0_i32_0 = arith.constant 0 : i32
    %c0_i32_1 = arith.constant 0 : i32
    return %c0_i32, %c0_i32_0 : i32, i32
  }
  func.func @transform_7(%arg0: i32) -> (i32, i32) {
    %c0_i32 = arith.constant 0 : i32
    %c0_i32_0 = arith.constant 0 : i32
    return %arg0, %c0_i32 : i32, i32
  }
}

module attributes {stable_mosaic.version = 14 : i64} {
  func.func @_tc_out_body(%arg0: i32, %arg1: memref<1000x1xf32, #tpu.memory_space<vmem>>, %arg2: memref<1000x128xf32, #tpu.memory_space<vmem>>, %arg3: memref<1000x128xf32, #tpu.memory_space<vmem>>, %arg4: memref<1000x128xf32, #tpu.memory_space<vmem>>, %arg5: memref<1x128xf32, #tpu.memory_space<vmem>>, %arg6: memref<1000x128xf32, #tpu.memory_space<vmem>>) attributes {dimension_semantics = [#tpu.dimension_semantics<arbitrary>], iteration_bounds = array<i64: 10>, scalar_prefetch = 0 : i64, scratch_operands = 0 : i64, tpu.core_type = #tpu.core_type<tc>, window_params = [{transform_indices = @transform_0, window_bounds = array<i64: 1000, 1>}, {transform_indices = @transform_1, window_bounds = array<i64: 1000, 128>}, {transform_indices = @transform_2, window_bounds = array<i64: 1000, 128>}, {transform_indices = @transform_3, window_bounds = array<i64: 1000, 128>}, {pipeline_mode = #tpu.pipeline_mode<synchronous>, transform_indices = @transform_4, window_bounds = array<i64: 1, 128>}, {transform_indices = @transform_5, window_bounds = array<i64: 1000, 128>}]} {
    %get3A = arith.constant 0 : index
    %get3A_0 = arith.constant 0 : index
    %get3A_1 = vector.load %arg3[%get3A, %get3A_0] : memref<1000x128xf32, #tpu.memory_space<vmem>>, vector<1000x128xf32>
    %get3A_2 = arith.constant 0 : index
    %get3A_3 = arith.constant 0 : index
    %get3A_4 = vector.load %arg4[%get3A_2, %get3A_3] : memref<1000x128xf32, #tpu.memory_space<vmem>>, vector<1000x128xf32>
    %add3A = arith.addf %get3A_1, %get3A_4 : vector<1000x128xf32>
    %get3A_5 = arith.constant 0 : index
    %get3A_6 = arith.constant 0 : index
    %get3A_7 = vector.load %arg2[%get3A_5, %get3A_6] : memref<1000x128xf32, #tpu.memory_space<vmem>>, vector<1000x128xf32>
    %sub3A = arith.subf %add3A, %get3A_7 : vector<1000x128xf32>
    %get3A_8 = arith.constant 0 : index
    %get3A_9 = arith.constant 0 : index
    %get3A_10 = vector.load %arg1[%get3A_8, %get3A_9] : memref<1000x1xf32, #tpu.memory_space<vmem>>, vector<1000x1xf32>
    %mul3A = vector.broadcast %get3A_10 : vector<1000x1xf32> to vector<1000x128xf32>
    %mul3A_11 = arith.mulf %sub3A, %mul3A : vector<1000x128xf32>
    %get3A_12 = arith.constant 0 : index
    %get3A_13 = arith.constant 0 : index
    %get3A_14 = vector.load %arg5[%get3A_12, %get3A_13] : memref<1x128xf32, #tpu.memory_space<vmem>>, vector<1x128xf32>
    %add3A_15 = vector.broadcast %get3A_14 : vector<1x128xf32> to vector<1000x128xf32>
    %add3A_16 = arith.addf %mul3A_11, %add3A_15 : vector<1000x128xf32>
    %swap3A = arith.constant 0 : index
    %swap3A_17 = arith.constant 0 : index
    %swap3A_18 = vector.load %arg6[%swap3A, %swap3A_17] : memref<1000x128xf32, #tpu.memory_space<vmem>>, vector<1000x128xf32>
    tpu.vector_store %arg6[%swap3A, %swap3A_17], %add3A_16 {strides = array<i32>} : memref<1000x128xf32, #tpu.memory_space<vmem>>, vector<1000x128xf32>,
    return
  }
  func.func @transform_0(%arg0: i32) -> (i32, i32) {
    %c0_i32 = arith.constant 0 : i32
    %c0_i32_0 = arith.constant 0 : i32
    return %arg0, %c0_i32 : i32, i32
  }
  func.func @transform_1(%arg0: i32) -> (i32, i32) {
    %c0_i32 = arith.constant 0 : i32
    %c0_i32_0 = arith.constant 0 : i32
    return %arg0, %c0_i32 : i32, i32
  }
  func.func @transform_2(%arg0: i32) -> (i32, i32) {
    %c0_i32 = arith.constant 0 : i32
    %c0_i32_0 = arith.constant 0 : i32
    return %arg0, %c0_i32 : i32, i32
  }
  func.func @transform_3(%arg0: i32) -> (i32, i32) {
    %c0_i32 = arith.constant 0 : i32
    %c0_i32_0 = arith.constant 0 : i32
    return %arg0, %c0_i32 : i32, i32
  }
  func.func @transform_4(%arg0: i32) -> (i32, i32) {
    %c0_i32 = arith.constant 0 : i32
    %c0_i32_0 = arith.constant 0 : i32
    %c0_i32_1 = arith.constant 0 : i32
    return %c0_i32, %c0_i32_0 : i32, i32
  }
  func.func @transform_5(%arg0: i32) -> (i32, i32) {
    %c0_i32 = arith.constant 0 : i32
    %c0_i32_0 = arith.constant 0 : i32
    return %arg0, %c0_i32 : i32, i32
  }
}

</mosaic_0001>

<sc_bundles>
// kernel: kernel.11.cloned.1.call-start
scs
__scs_entry_jumppad:
0x0: {  	(pc) =	sbr.rel $0x88, $3  }
0x1: {  	(tag) =	ssettag $0x0;
	lr =	simm.s32 $0x1  }
0x2: {  	[smem:$0x3F99] =	sst lr;
	_ =	strace $0xD0000000  }
0x3: {  	_ = 	snop  }
0x4: {  	_ = 	snop  }
0x5: {  	_ = 	snop  }
0x6: {  	_ = 	snop  }
0x7: {  	_ = 	snop  }
__scs_overlays_trampoline_lowered:
0x8: {  	[smem:$0x3FA8] =	sst s0  }
0x9: {  	[smem:$0x3FA9] =	sst s1  }
0xa: {  	[smem:$0x3FAA] =	sst s2  }
0xb: {  	[smem:$0x3FAB] =	sst s3  }
0xc: {  	[smem:$0x3FAC] =	sst s4  }
0xd: {  	[smem:$0x3FAD] =	sst s5  }
0xe: {  	[smem:$0x3FAE] =	sst s6  }
0xf: {  	[smem:$0x3FAF] =	sst s7  }
0x10: {  	[smem:$0x3FB0] =	sst s8  }
0x11: {  	[smem:$0x3FB1] =	sst s9;
	s0 =	simm.s32 @!p0 $0x0  }
0x12: {  	s1 =	sld [smem:$0x3F97];
	s0 =	simm.s32 @p0 $0x1  }
0x13: {  	[smem:$0x3FB2] =	sst s0;
	s0 =	simm.s32 @!p1 $0x0  }
0x14: {  	s2 =	sld [smem:$0x3F96];
	s0 =	simm.s32 @p1 $0x1  }
0x15: {  	[smem:$0x3FB3] =	sst s0;
	s0 =	simm.s32 @!p2 $0x0  }
0x16: {  	s3 =	sld [smem:$0x3FDB];
	s0 =	simm.s32 @p2 $0x1  }
0x17: {  	s4 =	simm.s32 $0x1BF5;
	[smem:$0x3FB5] =	sst s0  }
0x18: {  	s0 =	sld [smem:$0x3F98];
	_ =	swait.ge [sflag:s4], $0x0  }
0x19: {  	s7 =	sld [smem:$0x3F99]  }
0x1a: {  	s8 =	sadd.s32 $0xFFFFE003, lr  }
0x1b: {  	s9 =	sadd.s32 $0xFFFFFEF7, lr;
	s5 =	simm.s32 $0xFFFFFFFF;
	p2 =	slt.u32 s8, $0xFFFFF086  }
0x1c: {  	p1 =	slt.u32 s9, $0xF7A;
	s5 =	simm.s32 @!p2 $0x0  }
0x1d: {  	s5 =	simm.s32 @p1 $0x1;
	p0 =	seq.s32 s7, s2  }
0x1e: {  	s7 =	smul.u32 @!p0 $0xF7A, s2;
	p2 =	seq.s32 @!p0 s5, $0x0  }
0x1f: {  	s9 =	smul.u32 $0xF7A, s1;
	s8 =	simm.s32 @!p0 $0x1BF5;
	p2 =	por !p2, p0  }
0x20: {  	[sflag:s8] =	ssyncset.s32 @!p0 $0xFFFFF086;
	s6 =	sadd.s32 @!p0 s3, s7;
	s7 =	simm.s32 @!p0 $0x108  }
0x21: {  	s3 =	sadd.s32 s3, s9;
	s6 =	sadd.s32 @!p0 $0x88, s6;
	s7 =	simm.s32 @p2 $0x1082  }
0x22: {  	[simem:s7], [sflag:s8] =	dma.local @!p0 [hbm:s6], $0xF7A  }
0x23: {  	s9 =	sor.u32 $0xD0000000, s2;
	s6 =	simm.s32 $0x108;
	_ =	swait.ge @!p0 [sflag:s8], $0x0  }
0x24: {  	s3 =	sadd.s32 $0x88, s3;
	s6 =	simm.s32 @!p1 $0x1082;
	[sflag:s4] =	ssyncset.s32 $0xFFFFF086  }
0x25: {  	[simem:s6], [sflag:s4] =	dma.local [hbm:s3], $0xF7A  }
0x26: {  	[smem:$0x3F99] =	sst s1;
	(tag) =	ssettag s2;
	_ =	strace s9  }
0x27: {  	s1 =	sld [smem:$0x3FA9]  }
0x28: {  	s2 =	sld [smem:$0x3FAA]  }
0x29: {  	s4 =	sld [smem:$0x3FAC]  }
0x2a: {  	p0 =	seq.s32 s5, $0x0;
	s5 =	sld [smem:$0x3FAD]  }
0x2b: {  	s6 =	sld [smem:$0x3FAE]  }
0x2c: {  	s7 =	sld [smem:$0x3FAF]  }
0x2d: {  	s3 =	simm.s32 $0x108;
	s8 =	sld [smem:$0x3FB0]  }
0x2e: {  	s3 =	simm.s32 @!p0 $0x1082;
	s9 =	sld [smem:$0x3FB1]  }
0x2f: {  	lr =	sadd.s32 s0, s3;
	s0 =	sld [smem:$0x3FA8]  }
0x30: {  	s3 =	sld [smem:$0x3FAB]  }
0x31: {  	[smem:$0x3FB4] =	sst s10  }
0x32: {  	s10 =	sld [smem:$0x3FB2];
	_ =	sdelay $0x3  }
0x33: {  	p0 =	seq.s32 s10, $0x1;
	s10 =	sld [smem:$0x3FB4];
	_ =	sdelay $0x3  }
0x34: {  	[smem:$0x3FB4] =	sst s10  }
0x35: {  	s10 =	sld [smem:$0x3FB3];
	_ =	sdelay $0x3  }
0x36: {  	p1 =	seq.s32 s10, $0x1;
	s10 =	sld [smem:$0x3FB4];
	_ =	sdelay $0x3  }
0x37: {  	[smem:$0x3FB4] =	sst s10  }
0x38: {  	s10 =	sld [smem:$0x3FB5]  }
0x39: {  	_ = 	snop;
	(pc) =	sbr.ind lr, $3  }
0x3a: {  	_ = 	snop  }
0x3b: {  	_ = 	snop  }
0x3c: {  	p2 =	seq.s32 s10, $0x1;
	s10 =	sld [smem:$0x3FB4]  }
0x3d: {  	_ =	shalt  }
0x3e: {  	_ =	shalt  }
0x3f: {  	_ =	shalt  }
0x40: {  	_ =	shalt  }
0x41: {  	_ =	shalt  }
0x42: {  	_ =	shalt  }
0x43: {  	_ =	shalt  }
0x44: {  	_ =	shalt  }
0x45: {  	_ =	shalt  }
0x46: {  	_ =	shalt  }
0x47: {  	_ =	shalt  }
0x48: {  	_ =	shalt  }
0x49: {  	_ =	shalt  }
0x4a: {  	_ =	shalt  }
0x4b: {  	_ =	shalt  }
0x4c: {  	_ =	shalt  }
0x4d: {  	_ =	shalt  }
0x4e: {  	_ =	shalt  }
0x4f: {  	_ =	shalt  }
0x50: {  	_ =	shalt  }
0x51: {  	_ =	shalt  }
0x52: {  	_ =	shalt  }
0x53: {  	_ =	shalt  }
0x54: {  	_ =	shalt  }
0x55: {  	_ =	shalt  }
0x56: {  	_ =	shalt  }
0x57: {  	_ =	shalt  }
0x58: {  	_ =	shalt  }
0x59: {  	_ =	shalt  }
0x5a: {  	_ =	shalt  }
0x5b: {  	_ =	shalt  }
0x5c: {  	_ =	shalt  }
0x5d: {  	_ =	shalt  }
0x5e: {  	_ =	shalt  }
0x5f: {  	_ =	shalt  }
0x60: {  	_ =	shalt  }
0x61: {  	_ =	shalt  }
0x62: {  	_ =	shalt  }
0x63: {  	_ =	shalt  }
0x64: {  	_ =	shalt  }
0x65: {  	_ =	shalt  }
0x66: {  	_ =	shalt  }
0x67: {  	_ =	shalt  }
0x68: {  	_ =	shalt  }
0x69: {  	_ =	shalt  }
0x6a: {  	_ =	shalt  }
0x6b: {  	_ =	shalt  }
0x6c: {  	_ =	shalt  }
0x6d: {  	_ =	shalt  }
0x6e: {  	_ =	shalt  }
0x6f: {  	_ =	shalt  }
0x70: {  	_ =	shalt  }
0x71: {  	_ =	shalt  }
0x72: {  	_ =	shalt  }
0x73: {  	_ =	shalt  }
0x74: {  	_ =	shalt  }
0x75: {  	_ =	shalt  }
0x76: {  	_ =	shalt  }
0x77: {  	_ =	shalt  }
0x78: {  	_ =	shalt  }
0x79: {  	_ =	shalt  }
0x7a: {  	_ =	shalt  }
0x7b: {  	_ =	shalt  }
0x7c: {  	_ =	shalt  }
0x7d: {  	_ =	shalt  }
0x7e: {  	_ =	shalt  }
0x7f: {  	_ =	shalt  }
0x80: {  	_ =	shalt  }
0x81: {  	_ =	shalt  }
0x82: {  	_ =	shalt  }
0x83: {  	_ =	shalt  }
0x84: {  	_ =	shalt  }
0x85: {  	_ =	shalt  }
0x86: {  	_ =	shalt  }
0x87: {  	_ =	shalt  }
.Lfunc_end0:
.L_simem_size_0:
called_computation.1_lowered:
.L_overlay_start_0:
0x88: {  	s2 =	sld [smem:$0x3FD9]  }
0x89: {  	s3 =	sld [smem:$0x3FFE];
	_ =	sdelay $0x1  }
0x8a: {  	s1 =	srdreg.scid  }
0x8b: {  	s0 =	sand.u32 $0x1, s1  }
0x8c: {  	s14 =	sshll.u32 s0, $0xA;
	s2 =	sadd.s32 s3, s2  }
0x8d: {  	s2 =	sadd.s32 s2, s14  }
0x8e: {  	[smem:$0x3FC0] =	sst s2  }
0x8f: {  	_ = 	snop  }
0x90: {  	s2 =	sld [smem:$0x3FD0];
	_ =	sdelay $0x2  }
0x91: {  	s15 =	simm.s32 $0xA;
	s4 =	simm.s32 $0x10  }
0x92: {  	[smem:s4], [sflag:s15] =	dma.local [hbm:s2], $0x1  }
0x93: {  	_ =	swait.eq [sflag:s15], $0x1  }
0x94: {  	[sflag:s15] =	ssyncset.done $0x0  }
0x95: {  	s16 =	sld [smem:$0x10];
	[sflag:s15] =	ssyncadd.s32 $0xFFFFFFFF  }
0x96: {  	s17 =	sld [smem:$0x11];
	(tm) =	ssettm $0x1  }
0x97: {  	s18 =	sld [smem:$0x3FFB];
	_ =	sdelay $0x3  }
0x98: {  	_ =	strace s18  }
0x99: {  	s4 =	sld [smem:$0x3FFC];
	_ =	sdelay $0x3  }
0x9a: {  	_ =	strace s4  }
0x9b: {  	s4 =	sld [smem:$0x3FFD];
	_ =	sdelay $0x3  }
0x9c: {  	_ =	strace s4  }
0x9d: {  	_ =	strace $0x8FFFFFFF  }
0x9e: {  	s19 =	sld [smem:$0x3FDB];
	_ =	sdelay $0x1  }
0x9f: {  	s5 =	simm.s32 $_scs_section_size  }
0xa0: {  	s6 =	simm.s32 $_size__tile_overlayer_lowered;
	s7 =	simm.s32 $_tile_overlayer_lowered  }
0xa1: {  	s22 =	simm.s32 $0x1BFF;
	s21 =	sshll.u32 s7, $0x1;
	s4 =	sadd.s32 s5, s19  }
0xa2: {  	s8 =	simm.s32 $0x0;
	s20 =	sshll.u32 s6, $0x1;
	s6 =	sadd.s32 s21, s4  }
0xa3: {  	[timem:s8], [sflag:s22] =	dma.local [hbm:s6], s20  }
0xa4: {  	_ =	swait.ge [sflag:s22], s20  }
0xa5: {  	s5 =	ssub.s32 $0x0, s20;
	[sflag:s22] =	ssyncset.done $0x0  }
0xa6: {  	[sflag:s22] =	ssyncadd.s32 s5;
	_ =	sdelay $0x1  }
0xa7: {  	s23 =	simm.s32 $0x1B8B  }
0xa8: {  	_ =	swait.ge [sflag:s23], $0x1  }
0xa9: {  	[sflag:s23] =	ssyncset.done $0x0  }
0xaa: {  	s25 =	simm.s32 $0x1B8E;
	s24 =	sld [smem:$0x3FFE];
	[sflag:s23] =	ssyncadd.s32 $0xFFFFFFFF  }
0xab: {  	s26 =	simm.s32 $execute0_lowered;
	[smem:$0x3FD2] =	sst s25  }
0xac: {  	s6 =	sshll.u32 s26, $0x1;
	_ =	strace $0x80000049;
	[dreg:$0x1] =	wrdreg $0xFFFFFFFF  }
0xad: {  	s28 =	simm.s32 $_size_execute0_lowered;
	s4 =	sadd.s32 s4, s6;
	[dreg:$0x0] =	wrdreg $0x0  }
0xae: {  	s6 =	sshll.u32 s28, $0x1;
	[dreg:$0x2] =	wrdreg s4  }
0xaf: {  	[dreg:$0x3] =	wrdreg s6  }
0xb0: {  	[dreg:$0x4] =	wrdreg $0xC0  }
0xb1: {  	_ =	task [dreg:s8], $0x5FFFF  }
0xb2: {  	[dreg:$0x1] =	wrdreg $0xFFFFFFFF  }
0xb3: {  	[dreg:$0x0] =	wrdreg $0x60  }
0xb4: {  	[dreg:$0x2] =	wrdreg s24  }
0xb5: {  	[dreg:$0x3] =	wrdreg s16  }
0xb6: {  	[dreg:$0x4] =	wrdreg s17  }
0xb7: {  	[dreg:$0x5] =	wrdreg $0x52000  }
0xb8: {  	[dreg:$0x6] =	wrdreg $0x9  }
0xb9: {  	_ =	task.clear_ibuf [dreg:s8], $0x7FFFF;
	_ =	strace $0x90000049  }
0xba: {  	s29 =	simm.s32 $0x9;
	_ =	strace $0x8000004B  }
0xbb: {  	_ =	swait.ge [sflag:s29], $0x1  }
0xbc: {  	[sflag:s29] =	ssyncadd.s32 $0xFFFFFFFF  }
0xbd: {  	_ =	strace $0x9000004B  }
0xbe: {  	_ =	sfence  }
0xbf: {  	s30 =	sld [smem:$0x0];
	_ =	sdelay $0x2  }
0xc0: {  	s31 =	sshll.u32 s1, $0xD;
	s1 =	sshrl.u32 s1, $0x2  }
0xc1: {  	s3 =	sand.u32 $0x4000, s31;
	s1 =	sadd.s32 s1, s30  }
0xc2: {  	s0 =	sor.u32 s3, s0;
	s1 =	sshll.u32 s1, $0x11  }
0xc3: {  	s0 =	sor.u32 s1, s0  }
0xc4: {  	s0 =	sadd.s32 $0x8F2B, s0  }
0xc5: {  	[sflag:s0] =	ssyncadd.remote.s32 $0x1  }
0xc6: {  	_ =	sfence.sel $0xFFFF  }
0xc7: {  	[dreg:$0x0] =	wrdreg $0xFFFFFFFF;
	(pc) =	sbr.abs _section_cstart, $3  }
0xc8: {  	[dreg:$0x1] =	wrdreg $0xFFFFFFFF  }
0xc9: {  	_ =	task.clear_ibuf [dreg:s8], $0x2FFFF;
	_ =	strace $0x9FFFFFFF  }
0xca: {  	(tm) =	ssettm $0x7FFFFFFF  }
0xcb: {  	_ =	shalt  }
tec
execute0_lowered:
.L_overlay_start_1:
0x0: {  	(tag) =	ssettag $0x1  }
0x1: {  	s0 =	rddreg [dreg:$0x0]  }
0x2: {  	s1 =	rddreg [dreg:$0x1]  }
0x3: {  	s2 =	rddreg [dreg:$0x2]  }
0x4: {  	s3 =	rddreg [dreg:$0x3];
	s4 =	simm.s32 $0x0  }
0x5: {  	s5 =	srdreg.scid;
	s14 =	stileid.u32;
	s28 =	simm.s32 $0x180  }
0x6: {  	s29 =	simm.s32 $0x1;
	s30 =	simm.s32 $0x50;
	s31 =	simm.s32 $0x200  }
0x7: {  	[smem:$0x7FF] =	sst s4;
	s6 =	sadd.s32 $0x3400, s0;
	s9 =	smul.u32 $0x4E000, s14  }
0x8: {  	s5 =	sand.u32 $0x1, s5;
	s7 =	sadd.s32 $0x2A600, s0;
	s12 =	smul.u32 $0x13800, s14  }
0x9: {  	s13 =	sshll.u32 s14, $0x6;
	s0 =	sadd.s32 $0x2A400, s0;
	s20 =	smul.u32 $0x3E80, s14  }
0xa: {  	p0 =	sne.s32 s14, $0xF;
	_ =	strace $0x8000004A;
	s8 =	ssub.s32 $0x2, s5  }
0xb: {  	s11 =	sshll.u32 s5, $0x4;
	[dreg:$0x8] =	wrdreg s0;
	s17 =	smul.u32 $0x138800, s5  }
0xc: {  	s5 =	smul.u32 $0x3E800, s5;
	s10 =	sshrl.u32 s8, $0x1;
	s25 =	sor.u32 s14, s11  }
0xd: {  	s9 =	sshrl.u32 s9, $0x2;
	s26 =	sshrl.u32 s12, $0x3;
	s8 =	ssub.s32 s8, s10  }
0xe: {  	s10 =	smul.u32 $0x3E80, s25;
	s9 =	sadd.s32 s9, s3;
	s11 =	sadd.s32 s6, s26  }
0xf: {  	s12 =	sadd.s32 s12, s17;
	s5 =	sadd.s32 s20, s5;
	[dreg:$0x5] =	wrdreg s9  }
0x10: {  	[dreg:$0x6] =	wrdreg s11;
	s9 =	sor.u32 $0x1C07, s13;
	s13 =	sadd.s32 $0x138000, s3  }
0x11: {  	s11 =	sshrl.u32 s17, $0x3;
	s21 =	sshrl.u32 s12, $0x3;
	s23 =	smax.u32 s8, $0x1  }
0x12: {  	s24 =	sadd.s32 $0x180, s5;
	s8 =	simm.s32 $0x5;
	s12 =	simm.s32 $0x0  }
0x13: {  	[dreg:$0x7] =	wrdreg s13;
	s15 =	sshrl.u32 s10, $0x3;
	s11 =	sadd.s32 s7, s11  }
0x14: {  	s7 =	sadd.s32 s7, s21;
	[dreg:$0xf] =	wrdreg s23;
	s26 =	sshrl.u32 s24, $0x3  }
0x15: {  	s23 =	sadd.s32 $0x100, s5;
	s24 =	simm.s32 $0x7;
	s5 =	simm.s32 $0x2A00  }
0x16: {  	s10 =	sadd.s32 s1, s15;
	s16 =	sadd.s32 $0x10, s15;
	s18 =	sadd.s32 s2, s15  }
0x17: {  	[dreg:$0xd] =	wrdreg s7;
	s22 =	sadd.s32 $0x27000, s11;
	s0 =	sadd.s32 $0x7C0, s15  }
0x18: {  	s21 =	sadd.s32 s26, s2;
	s7 =	simm.s32 $0x3;
	[dreg:$0x9] =	wrdreg s10  }
0x19: {  	s11 =	simm.s32 $0x6;
	[dreg:$0xa] =	wrdreg s18;
	s19 =	sadd.s32 s1, s16  }
0x1a: {  	s10 =	sadd.s32 s2, s16;
	[dreg:$0xe] =	wrdreg s22;
	s25 =	sadd.s32 s1, s0  }
0x1b: {  	s20 =	sadd.s32 s2, s0;
	s22 =	sadd.s32 s26, s1;
	[dreg:$0xb] =	wrdreg s19  }
0x1c: {  	s26 =	simm.s32 $0x80;
	s0 =	simm.s32 $0x2;
	[dreg:$0xc] =	wrdreg s10  }
0x1d: {  	[dreg:$0x10] =	wrdreg s25;
	s25 =	simm.s32 $0x100;
	s10 =	simm.s32 $0x4  }
.LBB2_1:
0x1e: {  	s13 =	rddreg [dreg:$0x5]  }
0x1f: {  	s14 =	rddreg [dreg:$0x6];
	s13 =	sshrl.u32 s13, $0x3  }
0x20: {  	[spmem:s13], [sflag:s9] =	dma.local [hbm:s14], $0x2700  }
0x21: {  	_ =	swait.ge [sflag:s24], $0x2700  }
0x22: {  	[sflag:s24] =	ssyncset.done $0x0;
	s14 =	rddreg [dreg:$0x7]  }
0x23: {  	s15 =	rddreg [dreg:$0x8];
	[sflag:s24] =	ssyncadd.s32 $0xFFFFD900;
	s14 =	sshrl.u32 @!p0 s14, $0x3  }
0x24: {  	[spmem:s14], [sflag:s9] =	dma.local @!p0 [hbm:s15], $0x100  }
0x25: {  	s15 =	simm.s32 @!p0 $0x7  }
0x26: {  	_ =	swait.ge @!p0 [sflag:s15], $0x100  }
0x27: {  	[sflag:s15] =	ssyncset.done @!p0 $0x0  }
0x28: {  	[sflag:s15] =	ssyncadd.s32 @!p0 $0xFFFFFF00  }
0x29: {  	[bflag:$0x0] =	sbarrier.arrive $0xFFFF  }
0x2a: {  	s18 =	rddreg [dreg:$0x9]  }
0x2b: {  	[tilespmem:s4], [sflag:$0x1] =	stream.linear.gather [hbm4b:s18+s4], $0x80, $0x38;
	[tilespmem:$0x18A80] =	vst v63  }
0x2c: {  	s19 =	rddreg [dreg:$0xa]  }
0x2d: {  	[tilespmem:s25], [sflag:$0x3] =	stream.linear.gather [hbm4b:s19+s4], $0x80, $0x38;
	[tilespmem:$0x18A80] =	vst v63  }
0x2e: {  	s16 =	rddreg [dreg:$0xb]  }
0x2f: {  	[tilespmem:s26], [sflag:$0x2] =	stream.linear.gather [hbm4b:s16+s4], $0x80, $0x38;
	[tilespmem:$0x18A80] =	vst v63  }
0x30: {  	s17 =	rddreg [dreg:$0xc]  }
0x31: {  	[tilespmem:s28], [sflag:$0x4] =	stream.linear.gather [hbm4b:s17+s4], $0x80, $0x38;
	[tilespmem:$0x18A80] =	vst v63  }
0x32: {  	_ =	swait.ge [sflag:s29], $0x80  }
0x33: {  	[sflag:s29] =	ssyncset.done $0x0  }
0x34: {  	[sflag:s29] =	ssyncadd.s32 $0xFFFFFF80  }
0x35: {  	[tilespmem:s31], [sflag:$0x5] =	stream.indirect.gather [hbm4b:s6+s30], $0x80, s4, s30, $0xb8;
	[tilespmem:$0x18A80] =	vst v63  }
0x36: {  	_ =	swait.ge [sflag:s0], $0x80  }
0x37: {  	[sflag:s0] =	ssyncset.done $0x0  }
0x38: {  	[sflag:s0] =	ssyncadd.s32 $0xFFFFFF80  }
0x39: {  	[tilespmem:s5], [sflag:$0x6] =	stream.indirect.gather [hbm4b:s6+s30], $0x80, s26, s30, $0xb8;
	[tilespmem:$0x18A80] =	vst v63  }
0x3a: {  	_ =	swait.ge [sflag:s7], $0x80  }
0x3b: {  	[sflag:s7] =	ssyncset.done $0x0  }
0x3c: {  	[sflag:s7] =	ssyncadd.s32 $0xFFFFFF80  }
0x3d: {  	_ =	swait.ge [sflag:s8], $0x2800  }
0x3e: {  	[sflag:s8] =	ssyncset.done $0x0  }
0x3f: {  	[sflag:s8] =	ssyncadd.s32 $0xFFFFD800  }
0x40: {  	[spmem:s3] =	stream.indirect.scatter.add.f32 [tilespmem:s31], [sflag:$0x7], $0x80, s25, s30, $0xb8;
	[tilespmem:$0x18A80] =	vst v63  }
0x41: {  	_ =	swait.ge [sflag:s24], $0x2800  }
0x42: {  	s18 =	sshrl.u32 s23, $0x3;
	[sflag:s24] =	ssyncset.done $0x0  }
0x43: {  	s16 =	sadd.s32 s1, s18;
	[sflag:s24] =	ssyncadd.s32 $0xFFFFD800  }
0x44: {  	[tilespmem:s4], [sflag:$0x1] =	stream.linear.gather [hbm4b:s16+s4], $0x80, $0x38;
	[tilespmem:$0x18A80] =	vst v63  }
0x45: {  	s15 =	sadd.s32 s2, s18  }
0x46: {  	[tilespmem:s25], [sflag:$0x3] =	stream.linear.gather [hbm4b:s15+s4], $0x80, $0x38;
	[tilespmem:$0x18A80] =	vst v63  }
0x47: {  	_ =	swait.ge [sflag:s10], $0x80  }
0x48: {  	[sflag:s10] =	ssyncset.done $0x0  }
0x49: {  	[sflag:s10] =	ssyncadd.s32 $0xFFFFFF80  }
0x4a: {  	_ =	swait.ge [sflag:s11], $0x2800  }
0x4b: {  	[sflag:s11] =	ssyncset.done $0x0  }
0x4c: {  	[sflag:s11] =	ssyncadd.s32 $0xFFFFD800  }
0x4d: {  	[spmem:s3] =	stream.indirect.scatter.add.f32 [tilespmem:s5], [sflag:$0x7], $0x80, s28, s30, $0xb8;
	[tilespmem:$0x18A80] =	vst v63  }
0x4e: {  	_ =	swait.ge [sflag:s24], $0x2800  }
0x4f: {  	s19 =	sadd.s32 $0x0, s22;
	s17 =	sadd.s32 $0x0, s21;
	[sflag:s24] =	ssyncset.done $0x0  }
0x50: {  	s16 =	sadd.s32 $0x100, s23;
	s15 =	simm.s32 $0x20;
	[sflag:s24] =	ssyncadd.s32 $0xFFFFD800  }
0x51: {  	[tilespmem:s26], [sflag:$0x2] =	stream.linear.gather [hbm4b:s19+s4], $0x80, $0x38;
	[tilespmem:$0x18A80] =	vst v63  }
.LBB2_2:
0x52: {  	[tilespmem:s28], [sflag:$0x4] =	stream.linear.gather [hbm4b:s17+s4], $0x80, $0x38;
	[tilespmem:$0x18A80] =	vst v63  }
0x53: {  	s17 =	smov.u32 s15  }
0x54: {  	p1 =	sne.s32 s15, $0x780;
	s15 =	sadd.s32 $0x20, s15;
	_ =	swait.ge [sflag:s29], $0x80  }
0x55: {  	[sflag:s29] =	ssyncset.done $0x0  }
0x56: {  	[sflag:s29] =	ssyncadd.s32 $0xFFFFFF80  }
0x57: {  	[tilespmem:s31], [sflag:$0x5] =	stream.indirect.gather [hbm4b:s6+s30], $0x80, s4, s30, $0xb8;
	[tilespmem:$0x18A80] =	vst v63  }
0x58: {  	_ =	swait.ge [sflag:s0], $0x80  }
0x59: {  	[sflag:s0] =	ssyncset.done $0x0  }
0x5a: {  	[sflag:s0] =	ssyncadd.s32 $0xFFFFFF80  }
0x5b: {  	[tilespmem:s5], [sflag:$0x6] =	stream.indirect.gather [hbm4b:s6+s30], $0x80, s26, s30, $0xb8;
	[tilespmem:$0x18A80] =	vst v63  }
0x5c: {  	_ =	swait.ge [sflag:s7], $0x80  }
0x5d: {  	[sflag:s7] =	ssyncset.done $0x0  }
0x5e: {  	[sflag:s7] =	ssyncadd.s32 $0xFFFFFF80  }
0x5f: {  	_ =	swait.ge [sflag:s8], $0x2800  }
0x60: {  	[sflag:s8] =	ssyncset.done $0x0  }
0x61: {  	[sflag:s8] =	ssyncadd.s32 $0xFFFFD800  }
0x62: {  	[spmem:s3] =	stream.indirect.scatter.add.f32 [tilespmem:s31], [sflag:$0x7], $0x80, s25, s30, $0xb8;
	[tilespmem:$0x18A80] =	vst v63  }
0x63: {  	_ =	swait.ge [sflag:s24], $0x2800  }
0x64: {  	s18 =	sshrl.u32 s16, $0x3;
	[sflag:s24] =	ssyncset.done $0x0  }
0x65: {  	s19 =	sadd.s32 s1, s18;
	[sflag:s24] =	ssyncadd.s32 $0xFFFFD800  }
0x66: {  	[tilespmem:s4], [sflag:$0x1] =	stream.linear.gather [hbm4b:s19+s4], $0x80, $0x38;
	[tilespmem:$0x18A80] =	vst v63  }
0x67: {  	s18 =	sadd.s32 s2, s18  }
0x68: {  	[tilespmem:s25], [sflag:$0x3] =	stream.linear.gather [hbm4b:s18+s4], $0x80, $0x38;
	[tilespmem:$0x18A80] =	vst v63  }
0x69: {  	_ =	swait.ge [sflag:s10], $0x80  }
0x6a: {  	[sflag:s10] =	ssyncset.done $0x0  }
0x6b: {  	[sflag:s10] =	ssyncadd.s32 $0xFFFFFF80  }
0x6c: {  	_ =	swait.ge [sflag:s11], $0x2800  }
0x6d: {  	[sflag:s11] =	ssyncset.done $0x0  }
0x6e: {  	[sflag:s11] =	ssyncadd.s32 $0xFFFFD800  }
0x6f: {  	[spmem:s3] =	stream.indirect.scatter.add.f32 [tilespmem:s5], [sflag:$0x7], $0x80, s28, s30, $0xb8;
	[tilespmem:$0x18A80] =	vst v63  }
.Ltmp0:
0x70: {  	_ =	swait.ge [sflag:s24], $0x2800;
	(pc) =	sbr.rel @p1 .LBB2_2-.Ltmp0, $4  }
0x71: {  	[sflag:s24] =	ssyncset.done $0x0  }
0x72: {  	s18 =	sadd.s32 s17, s22;
	[sflag:s24] =	ssyncadd.s32 $0xFFFFD800  }
0x73: {  	[tilespmem:s26], [sflag:$0x2] =	stream.linear.gather [hbm4b:s18+s4], $0x80, $0x38;
	[tilespmem:$0x18A80] =	vst v63  }
0x74: {  	s16 =	sadd.s32 $0x100, s16;
	s17 =	sadd.s32 s17, s21  }
0x75: {  	[tilespmem:s28], [sflag:$0x4] =	stream.linear.gather [hbm4b:s17+s4], $0x80, $0x38;
	[tilespmem:$0x18A80] =	vst v63  }
0x76: {  	_ =	swait.ge [sflag:s29], $0x80  }
0x77: {  	[sflag:s29] =	ssyncset.done $0x0  }
0x78: {  	[sflag:s29] =	ssyncadd.s32 $0xFFFFFF80  }
0x79: {  	[tilespmem:s31], [sflag:$0x5] =	stream.indirect.gather [hbm4b:s6+s30], $0x80, s4, s30, $0xb8;
	[tilespmem:$0x18A80] =	vst v63  }
0x7a: {  	_ =	swait.ge [sflag:s0], $0x80  }
0x7b: {  	[sflag:s0] =	ssyncset.done $0x0  }
0x7c: {  	[sflag:s0] =	ssyncadd.s32 $0xFFFFFF80  }
0x7d: {  	[tilespmem:s5], [sflag:$0x6] =	stream.indirect.gather [hbm4b:s6+s30], $0x80, s26, s30, $0xb8;
	[tilespmem:$0x18A80] =	vst v63  }
0x7e: {  	_ =	swait.ge [sflag:s7], $0x80  }
0x7f: {  	[sflag:s7] =	ssyncset.done $0x0  }
0x80: {  	[sflag:s7] =	ssyncadd.s32 $0xFFFFFF80  }
0x81: {  	_ =	swait.ge [sflag:s8], $0x2800  }
0x82: {  	[sflag:s8] =	ssyncset.done $0x0  }
0x83: {  	[sflag:s8] =	ssyncadd.s32 $0xFFFFD800  }
0x84: {  	[spmem:s3] =	stream.indirect.scatter.add.f32 [tilespmem:s31], [sflag:$0x7], $0x80, s25, s30, $0xb8;
	[tilespmem:$0x18A80] =	vst v63  }
0x85: {  	_ =	swait.ge [sflag:s24], $0x2800  }
0x86: {  	[sflag:s24] =	ssyncset.done $0x0  }
0x87: {  	s15 =	rddreg [dreg:$0x10];
	[sflag:s24] =	ssyncadd.s32 $0xFFFFD800  }
0x88: {  	[tilespmem:s4], [sflag:$0x1] =	stream.linear.gather [hbm4b:s15+s4], $0x80, $0x38;
	[tilespmem:$0x18A80] =	vst v63  }
0x89: {  	_ = 	snop  }
0x8a: {  	[tilespmem:s25], [sflag:$0x3] =	stream.linear.gather [hbm4b:s20+s4], $0x80, $0x38;
	[tilespmem:$0x18A80] =	vst v63  }
0x8b: {  	_ =	swait.ge [sflag:s10], $0x80  }
0x8c: {  	[sflag:s10] =	ssyncset.done $0x0  }
0x8d: {  	[sflag:s10] =	ssyncadd.s32 $0xFFFFFF80  }
0x8e: {  	_ =	swait.ge [sflag:s11], $0x2800  }
0x8f: {  	[sflag:s11] =	ssyncset.done $0x0  }
0x90: {  	[sflag:s11] =	ssyncadd.s32 $0xFFFFD800  }
0x91: {  	[spmem:s3] =	stream.indirect.scatter.add.f32 [tilespmem:s5], [sflag:$0x7], $0x80, s28, s30, $0xb8;
	[tilespmem:$0x18A80] =	vst v63  }
0x92: {  	_ =	swait.ge [sflag:s24], $0x2800  }
0x93: {  	[sflag:s24] =	ssyncset.done $0x0  }
0x94: {  	[sflag:s24] =	ssyncadd.s32 $0xFFFFD800  }
0x95: {  	_ =	swait.ge [sflag:s29], $0x80  }
0x96: {  	[sflag:s29] =	ssyncset.done $0x0  }
0x97: {  	[sflag:s29] =	ssyncadd.s32 $0xFFFFFF80  }
0x98: {  	_ =	swait.ge [sflag:s7], $0x80  }
0x99: {  	[sflag:s7] =	ssyncset.done $0x0  }
0x9a: {  	[sflag:s7] =	ssyncadd.s32 $0xFFFFFF80  }
0x9b: {  	[tilespmem:s31], [sflag:$0x5] =	stream.indirect.gather [hbm4b:s6+s30], $0x80, s4, s30, $0xb8;
	[tilespmem:$0x18A80] =	vst v63  }
0x9c: {  	_ =	swait.ge [sflag:s8], $0x2800  }
0x9d: {  	[sflag:s8] =	ssyncset.done $0x0  }
0x9e: {  	[sflag:s8] =	ssyncadd.s32 $0xFFFFD800  }
0x9f: {  	[spmem:s3] =	stream.indirect.scatter.add.f32 [tilespmem:s31], [sflag:$0x7], $0x80, s25, s30, $0xb8;
	[tilespmem:$0x18A80] =	vst v63  }
0xa0: {  	_ =	swait.ge [sflag:s24], $0x2800  }
0xa1: {  	[sflag:s24] =	ssyncset.done $0x0  }
0xa2: {  	[sflag:s24] =	ssyncadd.s32 $0xFFFFD800  }
0xa3: {  	[bflag:$0x0] =	sbarrier.arrive $0xFFFF  }
0xa4: {  	s18 =	rddreg [dreg:$0xd]  }
0xa5: {  	[hbm:s18], [sflag:s9] =	dma.local [spmem:s13], $0x2700  }
0xa6: {  	_ =	swait.ge [sflag:s24], $0x2700  }
0xa7: {  	[sflag:s24] =	ssyncset.done $0x0  }
0xa8: {  	s13 =	rddreg [dreg:$0xe];
	[sflag:s24] =	ssyncadd.s32 $0xFFFFD900  }
0xa9: {  	[hbm:s13], [sflag:s9] =	dma.local @!p0 [spmem:s14], $0x100  }
0xaa: {  	s13 =	simm.s32 @!p0 $0x7  }
0xab: {  	_ =	swait.ge @!p0 [sflag:s13], $0x100  }
0xac: {  	s12 =	sadd.s32 $0x1, s12;
	s19 =	rddreg [dreg:$0xf]  }
0xad: {  	p1 =	sne.s32 s12, s19  }
.Ltmp1:
0xae: {  	_ = 	snop;
	(pc) =	sbr.rel @p1 .LBB2_1-.Ltmp1, $3  }
0xaf: {  	_ =	sdelay $0x1  }
0xb0: {  	[sflag:s13] =	ssyncset.done @!p0 $0x0  }
0xb1: {  	[sflag:s13] =	ssyncadd.s32 @!p0 $0xFFFFFF00  }
0xb2: {  	_ =	sfence.sel $0x180000  }
0xb3: {  	[bflag:$0x0] =	sbarrier.arrive $0xFFFF  }
0xb4: {  	_ =	strace $0x9000004A  }
0xb5: {  	s0 =	stileid.u32;
	[bflag:$0x2] =	sbarrier.arrive $0xFFFF  }
0xb6: {  	p0 =	sne.s32 s0, $0x0;
	s0 =	rddreg [dreg:$0x4]  }
0xb7: {  	s0 =	sadd.s32 @!p0 $0x100000, s0  }
0xb8: {  	[sflag:s0] =	ssyncadd.tile.s32 @!p0 $0x1;
	_ =	shalt  }
.Lfunc_end2:
_tile_overlayer_lowered:
.L_overlay_start_2:
0xb9: {  	(tag) =	ssettag $0x2  }
0xba: {  	s0 =	rddreg [dreg:$0x0];
	s2 =	stileid.u32  }
0xbb: {  	s1 =	rddreg [dreg:$0x1];
	p0 =	sne.s32 s2, $0x0  }
0xbc: {  	s3 =	rddreg [dreg:$0x2];
	[bflag:$0x3] =	sbarrier.arrive $0xFFFF;
	s2 =	simm.s32 @!p0 $0x1C07  }
0xbd: {  	[timem:s3], [sflag:s2] =	dma.local @!p0 [hbm:s0], s1  }
0xbe: {  	s0 =	simm.s32 @!p0 $0x7  }
0xbf: {  	_ =	swait.ge @!p0 [sflag:s0], s1  }
0xc0: {  	s1 =	ssub.s32 @!p0 $0x0, s1;
	[sflag:s0] =	ssyncset.done @!p0 $0x0  }
0xc1: {  	[sflag:s0] =	ssyncadd.s32 @!p0 s1  }
0xc2: {  	[bflag:$0x3] =	sbarrier.arrive $0xFFFF  }
0xc3: {  	_ =	shalt  }

// kernel: kernel.14.cloned.1.call-start
scs
__scs_entry_jumppad:
0x0: {  	(pc) =	sbr.rel $0x88, $3  }
0x1: {  	(tag) =	ssettag $0x0;
	lr =	simm.s32 $0x1  }
0x2: {  	[smem:$0x3F99] =	sst lr;
	_ =	strace $0xD0000000  }
0x3: {  	_ = 	snop  }
0x4: {  	_ = 	snop  }
0x5: {  	_ = 	snop  }
0x6: {  	_ = 	snop  }
0x7: {  	_ = 	snop  }
__scs_overlays_trampoline_lowered:
0x8: {  	[smem:$0x3FA8] =	sst s0  }
0x9: {  	[smem:$0x3FA9] =	sst s1  }
0xa: {  	[smem:$0x3FAA] =	sst s2  }
0xb: {  	[smem:$0x3FAB] =	sst s3  }
0xc: {  	[smem:$0x3FAC] =	sst s4  }
0xd: {  	[smem:$0x3FAD] =	sst s5  }
0xe: {  	[smem:$0x3FAE] =	sst s6  }
0xf: {  	[smem:$0x3FAF] =	sst s7  }
0x10: {  	[smem:$0x3FB0] =	sst s8  }
0x11: {  	[smem:$0x3FB1] =	sst s9;
	s0 =	simm.s32 @!p0 $0x0  }
0x12: {  	s1 =	sld [smem:$0x3F97];
	s0 =	simm.s32 @p0 $0x1  }
0x13: {  	[smem:$0x3FB2] =	sst s0;
	s0 =	simm.s32 @!p1 $0x0  }
0x14: {  	s2 =	sld [smem:$0x3F96];
	s0 =	simm.s32 @p1 $0x1  }
0x15: {  	[smem:$0x3FB3] =	sst s0;
	s0 =	simm.s32 @!p2 $0x0  }
0x16: {  	s3 =	sld [smem:$0x3FDB];
	s0 =	simm.s32 @p2 $0x1  }
0x17: {  	s4 =	simm.s32 $0x1BF5;
	[smem:$0x3FB5] =	sst s0  }
0x18: {  	s0 =	sld [smem:$0x3F98];
	_ =	swait.ge [sflag:s4], $0x0  }
0x19: {  	s7 =	sld [smem:$0x3F99]  }
0x1a: {  	s8 =	sadd.s32 $0xFFFFE003, lr  }
0x1b: {  	s9 =	sadd.s32 $0xFFFFFEF7, lr;
	s5 =	simm.s32 $0xFFFFFFFF;
	p2 =	slt.u32 s8, $0xFFFFF086  }
0x1c: {  	p1 =	slt.u32 s9, $0xF7A;
	s5 =	simm.s32 @!p2 $0x0  }
0x1d: {  	s5 =	simm.s32 @p1 $0x1;
	p0 =	seq.s32 s7, s2  }
0x1e: {  	s7 =	smul.u32 @!p0 $0xF7A, s2;
	p2 =	seq.s32 @!p0 s5, $0x0  }
0x1f: {  	s9 =	smul.u32 $0xF7A, s1;
	s8 =	simm.s32 @!p0 $0x1BF5;
	p2 =	por !p2, p0  }
0x20: {  	[sflag:s8] =	ssyncset.s32 @!p0 $0xFFFFF086;
	s6 =	sadd.s32 @!p0 s3, s7;
	s7 =	simm.s32 @!p0 $0x108  }
0x21: {  	s3 =	sadd.s32 s3, s9;
	s6 =	sadd.s32 @!p0 $0x88, s6;
	s7 =	simm.s32 @p2 $0x1082  }
0x22: {  	[simem:s7], [sflag:s8] =	dma.local @!p0 [hbm:s6], $0xF7A  }
0x23: {  	s9 =	sor.u32 $0xD0000000, s2;
	s6 =	simm.s32 $0x108;
	_ =	swait.ge @!p0 [sflag:s8], $0x0  }
0x24: {  	s3 =	sadd.s32 $0x88, s3;
	s6 =	simm.s32 @!p1 $0x1082;
	[sflag:s4] =	ssyncset.s32 $0xFFFFF086  }
0x25: {  	[simem:s6], [sflag:s4] =	dma.local [hbm:s3], $0xF7A  }
0x26: {  	[smem:$0x3F99] =	sst s1;
	(tag) =	ssettag s2;
	_ =	strace s9  }
0x27: {  	s1 =	sld [smem:$0x3FA9]  }
0x28: {  	s2 =	sld [smem:$0x3FAA]  }
0x29: {  	s4 =	sld [smem:$0x3FAC]  }
0x2a: {  	p0 =	seq.s32 s5, $0x0;
	s5 =	sld [smem:$0x3FAD]  }
0x2b: {  	s6 =	sld [smem:$0x3FAE]  }
0x2c: {  	s7 =	sld [smem:$0x3FAF]  }
0x2d: {  	s3 =	simm.s32 $0x108;
	s8 =	sld [smem:$0x3FB0]  }
0x2e: {  	s3 =	simm.s32 @!p0 $0x1082;
	s9 =	sld [smem:$0x3FB1]  }
0x2f: {  	lr =	sadd.s32 s0, s3;
	s0 =	sld [smem:$0x3FA8]  }
0x30: {  	s3 =	sld [smem:$0x3FAB]  }
0x31: {  	[smem:$0x3FB4] =	sst s10  }
0x32: {  	s10 =	sld [smem:$0x3FB2];
	_ =	sdelay $0x3  }
0x33: {  	p0 =	seq.s32 s10, $0x1;
	s10 =	sld [smem:$0x3FB4];
	_ =	sdelay $0x3  }
0x34: {  	[smem:$0x3FB4] =	sst s10  }
0x35: {  	s10 =	sld [smem:$0x3FB3];
	_ =	sdelay $0x3  }
0x36: {  	p1 =	seq.s32 s10, $0x1;
	s10 =	sld [smem:$0x3FB4];
	_ =	sdelay $0x3  }
0x37: {  	[smem:$0x3FB4] =	sst s10  }
0x38: {  	s10 =	sld [smem:$0x3FB5]  }
0x39: {  	_ = 	snop;
	(pc) =	sbr.ind lr, $3  }
0x3a: {  	_ = 	snop  }
0x3b: {  	_ = 	snop  }
0x3c: {  	p2 =	seq.s32 s10, $0x1;
	s10 =	sld [smem:$0x3FB4]  }
0x3d: {  	_ =	shalt  }
0x3e: {  	_ =	shalt  }
0x3f: {  	_ =	shalt  }
0x40: {  	_ =	shalt  }
0x41: {  	_ =	shalt  }
0x42: {  	_ =	shalt  }
0x43: {  	_ =	shalt  }
0x44: {  	_ =	shalt  }
0x45: {  	_ =	shalt  }
0x46: {  	_ =	shalt  }
0x47: {  	_ =	shalt  }
0x48: {  	_ =	shalt  }
0x49: {  	_ =	shalt  }
0x4a: {  	_ =	shalt  }
0x4b: {  	_ =	shalt  }
0x4c: {  	_ =	shalt  }
0x4d: {  	_ =	shalt  }
0x4e: {  	_ =	shalt  }
0x4f: {  	_ =	shalt  }
0x50: {  	_ =	shalt  }
0x51: {  	_ =	shalt  }
0x52: {  	_ =	shalt  }
0x53: {  	_ =	shalt  }
0x54: {  	_ =	shalt  }
0x55: {  	_ =	shalt  }
0x56: {  	_ =	shalt  }
0x57: {  	_ =	shalt  }
0x58: {  	_ =	shalt  }
0x59: {  	_ =	shalt  }
0x5a: {  	_ =	shalt  }
0x5b: {  	_ =	shalt  }
0x5c: {  	_ =	shalt  }
0x5d: {  	_ =	shalt  }
0x5e: {  	_ =	shalt  }
0x5f: {  	_ =	shalt  }
0x60: {  	_ =	shalt  }
0x61: {  	_ =	shalt  }
0x62: {  	_ =	shalt  }
0x63: {  	_ =	shalt  }
0x64: {  	_ =	shalt  }
0x65: {  	_ =	shalt  }
0x66: {  	_ =	shalt  }
0x67: {  	_ =	shalt  }
0x68: {  	_ =	shalt  }
0x69: {  	_ =	shalt  }
0x6a: {  	_ =	shalt  }
0x6b: {  	_ =	shalt  }
0x6c: {  	_ =	shalt  }
0x6d: {  	_ =	shalt  }
0x6e: {  	_ =	shalt  }
0x6f: {  	_ =	shalt  }
0x70: {  	_ =	shalt  }
0x71: {  	_ =	shalt  }
0x72: {  	_ =	shalt  }
0x73: {  	_ =	shalt  }
0x74: {  	_ =	shalt  }
0x75: {  	_ =	shalt  }
0x76: {  	_ =	shalt  }
0x77: {  	_ =	shalt  }
0x78: {  	_ =	shalt  }
0x79: {  	_ =	shalt  }
0x7a: {  	_ =	shalt  }
0x7b: {  	_ =	shalt  }
0x7c: {  	_ =	shalt  }
0x7d: {  	_ =	shalt  }
0x7e: {  	_ =	shalt  }
0x7f: {  	_ =	shalt  }
0x80: {  	_ =	shalt  }
0x81: {  	_ =	shalt  }
0x82: {  	_ =	shalt  }
0x83: {  	_ =	shalt  }
0x84: {  	_ =	shalt  }
0x85: {  	_ =	shalt  }
0x86: {  	_ =	shalt  }
0x87: {  	_ =	shalt  }
.Lfunc_end0:
.L_simem_size_0:
called_computation.2_lowered:
.L_overlay_start_0:
0x88: {  	s2 =	sld [smem:$0x3FD9]  }
0x89: {  	s3 =	sld [smem:$0x3FFE];
	_ =	sdelay $0x1  }
0x8a: {  	s1 =	srdreg.scid  }
0x8b: {  	s0 =	sand.u32 $0x1, s1  }
0x8c: {  	s14 =	sshll.u32 s0, $0xA;
	s2 =	sadd.s32 s3, s2  }
0x8d: {  	s2 =	sadd.s32 s2, s14  }
0x8e: {  	[smem:$0x3FC0] =	sst s2  }
0x8f: {  	_ = 	snop  }
0x90: {  	s2 =	sld [smem:$0x3FD0];
	_ =	sdelay $0x2  }
0x91: {  	s15 =	simm.s32 $0xA;
	s4 =	simm.s32 $0x10  }
0x92: {  	[smem:s4], [sflag:s15] =	dma.local [hbm:s2], $0x1  }
0x93: {  	_ =	swait.eq [sflag:s15], $0x1  }
0x94: {  	[sflag:s15] =	ssyncset.done $0x0  }
0x95: {  	s16 =	sld [smem:$0x10];
	[sflag:s15] =	ssyncadd.s32 $0xFFFFFFFF  }
0x96: {  	s17 =	sld [smem:$0x11];
	(tm) =	ssettm $0x1  }
0x97: {  	s18 =	sld [smem:$0x3FFB];
	_ =	sdelay $0x3  }
0x98: {  	_ =	strace s18  }
0x99: {  	s4 =	sld [smem:$0x3FFC];
	_ =	sdelay $0x3  }
0x9a: {  	_ =	strace s4  }
0x9b: {  	s4 =	sld [smem:$0x3FFD];
	_ =	sdelay $0x3  }
0x9c: {  	_ =	strace s4  }
0x9d: {  	_ =	strace $0x8FFFFFFF  }
0x9e: {  	s19 =	sld [smem:$0x3FDB];
	_ =	sdelay $0x1  }
0x9f: {  	s5 =	simm.s32 $_scs_section_size  }
0xa0: {  	s6 =	simm.s32 $_size__tile_overlayer_lowered;
	s7 =	simm.s32 $_tile_overlayer_lowered  }
0xa1: {  	s22 =	simm.s32 $0x1BFF;
	s21 =	sshll.u32 s7, $0x1;
	s4 =	sadd.s32 s5, s19  }
0xa2: {  	s8 =	simm.s32 $0x0;
	s20 =	sshll.u32 s6, $0x1;
	s6 =	sadd.s32 s21, s4  }
0xa3: {  	[timem:s8], [sflag:s22] =	dma.local [hbm:s6], s20  }
0xa4: {  	_ =	swait.ge [sflag:s22], s20  }
0xa5: {  	s5 =	ssub.s32 $0x0, s20;
	[sflag:s22] =	ssyncset.done $0x0  }
0xa6: {  	[sflag:s22] =	ssyncadd.s32 s5;
	_ =	sdelay $0x1  }
0xa7: {  	s23 =	simm.s32 $0x1B8B  }
0xa8: {  	_ =	swait.ge [sflag:s23], $0x1  }
0xa9: {  	[sflag:s23] =	ssyncset.done $0x0  }
0xaa: {  	s25 =	simm.s32 $0x1B8E;
	s24 =	sld [smem:$0x3FFE];
	[sflag:s23] =	ssyncadd.s32 $0xFFFFFFFF  }
0xab: {  	s26 =	simm.s32 $execute0_lowered;
	[smem:$0x3FD2] =	sst s25  }
0xac: {  	s6 =	sshll.u32 s26, $0x1;
	_ =	strace $0x8000004C;
	[dreg:$0x1] =	wrdreg $0xFFFFFFFF  }
0xad: {  	s28 =	simm.s32 $_size_execute0_lowered;
	s4 =	sadd.s32 s4, s6;
	[dreg:$0x0] =	wrdreg $0x0  }
0xae: {  	s6 =	sshll.u32 s28, $0x1;
	[dreg:$0x2] =	wrdreg s4  }
0xaf: {  	[dreg:$0x3] =	wrdreg s6  }
0xb0: {  	[dreg:$0x4] =	wrdreg $0xC0  }
0xb1: {  	_ =	task [dreg:s8], $0x5FFFF  }
0xb2: {  	[dreg:$0x1] =	wrdreg $0xFFFFFFFF  }
0xb3: {  	[dreg:$0x0] =	wrdreg $0x60  }
0xb4: {  	[dreg:$0x2] =	wrdreg s24  }
0xb5: {  	[dreg:$0x3] =	wrdreg s16  }
0xb6: {  	[dreg:$0x4] =	wrdreg s17  }
0xb7: {  	[dreg:$0x5] =	wrdreg $0x52000  }
0xb8: {  	[dreg:$0x6] =	wrdreg $0x9  }
0xb9: {  	_ =	task.clear_ibuf [dreg:s8], $0x7FFFF;
	_ =	strace $0x9000004C  }
0xba: {  	s29 =	simm.s32 $0x9;
	_ =	strace $0x8000004E  }
0xbb: {  	_ =	swait.ge [sflag:s29], $0x1  }
0xbc: {  	[sflag:s29] =	ssyncadd.s32 $0xFFFFFFFF  }
0xbd: {  	_ =	strace $0x9000004E  }
0xbe: {  	_ =	sfence  }
0xbf: {  	s30 =	sld [smem:$0x0];
	_ =	sdelay $0x2  }
0xc0: {  	s31 =	sshll.u32 s1, $0xD;
	s1 =	sshrl.u32 s1, $0x2  }
0xc1: {  	s3 =	sand.u32 $0x4000, s31;
	s1 =	sadd.s32 s1, s30  }
0xc2: {  	s0 =	sor.u32 s3, s0;
	s1 =	sshll.u32 s1, $0x11  }
0xc3: {  	s0 =	sor.u32 s1, s0  }
0xc4: {  	s0 =	sadd.s32 $0x8F2B, s0  }
0xc5: {  	[sflag:s0] =	ssyncadd.remote.s32 $0x1  }
0xc6: {  	_ =	sfence.sel $0xFFFF  }
0xc7: {  	[dreg:$0x0] =	wrdreg $0xFFFFFFFF;
	(pc) =	sbr.abs _section_cstart, $3  }
0xc8: {  	[dreg:$0x1] =	wrdreg $0xFFFFFFFF  }
0xc9: {  	_ =	task.clear_ibuf [dreg:s8], $0x2FFFF;
	_ =	strace $0x9FFFFFFF  }
0xca: {  	(tm) =	ssettm $0x7FFFFFFF  }
0xcb: {  	_ =	shalt  }
tec
execute0_lowered:
.L_overlay_start_1:
0x0: {  	(tag) =	ssettag $0x1  }
0x1: {  	s0 =	rddreg [dreg:$0x0]  }
0x2: {  	s1 =	rddreg [dreg:$0x1]  }
0x3: {  	s2 =	rddreg [dreg:$0x2]  }
0x4: {  	s3 =	rddreg [dreg:$0x3];
	s4 =	simm.s32 $0x0  }
0x5: {  	s5 =	srdreg.scid;
	s14 =	stileid.u32;
	s28 =	simm.s32 $0x180  }
0x6: {  	s29 =	simm.s32 $0x1;
	s30 =	simm.s32 $0x50;
	s31 =	simm.s32 $0x200  }
0x7: {  	[smem:$0x7FF] =	sst s4;
	s6 =	sadd.s32 $0x3400, s0;
	s9 =	smul.u32 $0x4E000, s14  }
0x8: {  	s5 =	sand.u32 $0x1, s5;
	s7 =	sadd.s32 $0x2A600, s0;
	s12 =	smul.u32 $0x13800, s14  }
0x9: {  	s13 =	sshll.u32 s14, $0x6;
	s0 =	sadd.s32 $0x2A400, s0;
	s20 =	smul.u32 $0x3E80, s14  }
0xa: {  	p0 =	sne.s32 s14, $0xF;
	_ =	strace $0x8000004D;
	s8 =	ssub.s32 $0x2, s5  }
0xb: {  	s11 =	sshll.u32 s5, $0x4;
	[dreg:$0x8] =	wrdreg s0;
	s17 =	smul.u32 $0x138800, s5  }
0xc: {  	s5 =	smul.u32 $0x3E800, s5;
	s10 =	sshrl.u32 s8, $0x1;
	s25 =	sor.u32 s14, s11  }
0xd: {  	s9 =	sshrl.u32 s9, $0x2;
	s26 =	sshrl.u32 s12, $0x3;
	s8 =	ssub.s32 s8, s10  }
0xe: {  	s10 =	smul.u32 $0x3E80, s25;
	s9 =	sadd.s32 s9, s3;
	s11 =	sadd.s32 s6, s26  }
0xf: {  	s12 =	sadd.s32 s12, s17;
	s5 =	sadd.s32 s20, s5;
	[dreg:$0x5] =	wrdreg s9  }
0x10: {  	[dreg:$0x6] =	wrdreg s11;
	s9 =	sor.u32 $0x1C07, s13;
	s13 =	sadd.s32 $0x138000, s3  }
0x11: {  	s11 =	sshrl.u32 s17, $0x3;
	s21 =	sshrl.u32 s12, $0x3;
	s23 =	smax.u32 s8, $0x1  }
0x12: {  	s24 =	sadd.s32 $0x180, s5;
	s8 =	simm.s32 $0x5;
	s12 =	simm.s32 $0x0  }
0x13: {  	[dreg:$0x7] =	wrdreg s13;
	s15 =	sshrl.u32 s10, $0x3;
	s11 =	sadd.s32 s7, s11  }
0x14: {  	s7 =	sadd.s32 s7, s21;
	[dreg:$0xf] =	wrdreg s23;
	s26 =	sshrl.u32 s24, $0x3  }
0x15: {  	s23 =	sadd.s32 $0x100, s5;
	s24 =	simm.s32 $0x7;
	s5 =	simm.s32 $0x2A00  }
0x16: {  	s10 =	sadd.s32 s1, s15;
	s16 =	sadd.s32 $0x10, s15;
	s18 =	sadd.s32 s2, s15  }
0x17: {  	[dreg:$0xd] =	wrdreg s7;
	s22 =	sadd.s32 $0x27000, s11;
	s0 =	sadd.s32 $0x7C0, s15  }
0x18: {  	s21 =	sadd.s32 s26, s2;
	s7 =	simm.s32 $0x3;
	[dreg:$0x9] =	wrdreg s10  }
0x19: {  	s11 =	simm.s32 $0x6;
	[dreg:$0xa] =	wrdreg s18;
	s19 =	sadd.s32 s1, s16  }
0x1a: {  	s10 =	sadd.s32 s2, s16;
	[dreg:$0xe] =	wrdreg s22;
	s25 =	sadd.s32 s1, s0  }
0x1b: {  	s20 =	sadd.s32 s2, s0;
	s22 =	sadd.s32 s26, s1;
	[dreg:$0xb] =	wrdreg s19  }
0x1c: {  	s26 =	simm.s32 $0x80;
	s0 =	simm.s32 $0x2;
	[dreg:$0xc] =	wrdreg s10  }
0x1d: {  	[dreg:$0x10] =	wrdreg s25;
	s25 =	simm.s32 $0x100;
	s10 =	simm.s32 $0x4  }
.LBB2_1:
0x1e: {  	s13 =	rddreg [dreg:$0x5]  }
0x1f: {  	s14 =	rddreg [dreg:$0x6];
	s13 =	sshrl.u32 s13, $0x3  }
0x20: {  	[spmem:s13], [sflag:s9] =	dma.local [hbm:s14], $0x2700  }
0x21: {  	_ =	swait.ge [sflag:s24], $0x2700  }
0x22: {  	[sflag:s24] =	ssyncset.done $0x0;
	s14 =	rddreg [dreg:$0x7]  }
0x23: {  	s15 =	rddreg [dreg:$0x8];
	[sflag:s24] =	ssyncadd.s32 $0xFFFFD900;
	s14 =	sshrl.u32 @!p0 s14, $0x3  }
0x24: {  	[spmem:s14], [sflag:s9] =	dma.local @!p0 [hbm:s15], $0x100  }
0x25: {  	s15 =	simm.s32 @!p0 $0x7  }
0x26: {  	_ =	swait.ge @!p0 [sflag:s15], $0x100  }
0x27: {  	[sflag:s15] =	ssyncset.done @!p0 $0x0  }
0x28: {  	[sflag:s15] =	ssyncadd.s32 @!p0 $0xFFFFFF00  }
0x29: {  	[bflag:$0x0] =	sbarrier.arrive $0xFFFF  }
0x2a: {  	s18 =	rddreg [dreg:$0x9]  }
0x2b: {  	[tilespmem:s4], [sflag:$0x1] =	stream.linear.gather [hbm4b:s18+s4], $0x80, $0x38;
	[tilespmem:$0x18A80] =	vst v63  }
0x2c: {  	s19 =	rddreg [dreg:$0xa]  }
0x2d: {  	[tilespmem:s25], [sflag:$0x3] =	stream.linear.gather [hbm4b:s19+s4], $0x80, $0x38;
	[tilespmem:$0x18A80] =	vst v63  }
0x2e: {  	s16 =	rddreg [dreg:$0xb]  }
0x2f: {  	[tilespmem:s26], [sflag:$0x2] =	stream.linear.gather [hbm4b:s16+s4], $0x80, $0x38;
	[tilespmem:$0x18A80] =	vst v63  }
0x30: {  	s17 =	rddreg [dreg:$0xc]  }
0x31: {  	[tilespmem:s28], [sflag:$0x4] =	stream.linear.gather [hbm4b:s17+s4], $0x80, $0x38;
	[tilespmem:$0x18A80] =	vst v63  }
0x32: {  	_ =	swait.ge [sflag:s29], $0x80  }
0x33: {  	[sflag:s29] =	ssyncset.done $0x0  }
0x34: {  	[sflag:s29] =	ssyncadd.s32 $0xFFFFFF80  }
0x35: {  	[tilespmem:s31], [sflag:$0x5] =	stream.indirect.gather [hbm4b:s6+s30], $0x80, s4, s30, $0xb8;
	[tilespmem:$0x18A80] =	vst v63  }
0x36: {  	_ =	swait.ge [sflag:s0], $0x80  }
0x37: {  	[sflag:s0] =	ssyncset.done $0x0  }
0x38: {  	[sflag:s0] =	ssyncadd.s32 $0xFFFFFF80  }
0x39: {  	[tilespmem:s5], [sflag:$0x6] =	stream.indirect.gather [hbm4b:s6+s30], $0x80, s26, s30, $0xb8;
	[tilespmem:$0x18A80] =	vst v63  }
0x3a: {  	_ =	swait.ge [sflag:s7], $0x80  }
0x3b: {  	[sflag:s7] =	ssyncset.done $0x0  }
0x3c: {  	[sflag:s7] =	ssyncadd.s32 $0xFFFFFF80  }
0x3d: {  	_ =	swait.ge [sflag:s8], $0x2800  }
0x3e: {  	[sflag:s8] =	ssyncset.done $0x0  }
0x3f: {  	[sflag:s8] =	ssyncadd.s32 $0xFFFFD800  }
0x40: {  	[spmem:s3] =	stream.indirect.scatter.add.f32 [tilespmem:s31], [sflag:$0x7], $0x80, s25, s30, $0xb8;
	[tilespmem:$0x18A80] =	vst v63  }
0x41: {  	_ =	swait.ge [sflag:s24], $0x2800  }
0x42: {  	s18 =	sshrl.u32 s23, $0x3;
	[sflag:s24] =	ssyncset.done $0x0  }
0x43: {  	s16 =	sadd.s32 s1, s18;
	[sflag:s24] =	ssyncadd.s32 $0xFFFFD800  }
0x44: {  	[tilespmem:s4], [sflag:$0x1] =	stream.linear.gather [hbm4b:s16+s4], $0x80, $0x38;
	[tilespmem:$0x18A80] =	vst v63  }
0x45: {  	s15 =	sadd.s32 s2, s18  }
0x46: {  	[tilespmem:s25], [sflag:$0x3] =	stream.linear.gather [hbm4b:s15+s4], $0x80, $0x38;
	[tilespmem:$0x18A80] =	vst v63  }
0x47: {  	_ =	swait.ge [sflag:s10], $0x80  }
0x48: {  	[sflag:s10] =	ssyncset.done $0x0  }
0x49: {  	[sflag:s10] =	ssyncadd.s32 $0xFFFFFF80  }
0x4a: {  	_ =	swait.ge [sflag:s11], $0x2800  }
0x4b: {  	[sflag:s11] =	ssyncset.done $0x0  }
0x4c: {  	[sflag:s11] =	ssyncadd.s32 $0xFFFFD800  }
0x4d: {  	[spmem:s3] =	stream.indirect.scatter.add.f32 [tilespmem:s5], [sflag:$0x7], $0x80, s28, s30, $0xb8;
	[tilespmem:$0x18A80] =	vst v63  }
0x4e: {  	_ =	swait.ge [sflag:s24], $0x2800  }
0x4f: {  	s19 =	sadd.s32 $0x0, s22;
	s17 =	sadd.s32 $0x0, s21;
	[sflag:s24] =	ssyncset.done $0x0  }
0x50: {  	s16 =	sadd.s32 $0x100, s23;
	s15 =	simm.s32 $0x20;
	[sflag:s24] =	ssyncadd.s32 $0xFFFFD800  }
0x51: {  	[tilespmem:s26], [sflag:$0x2] =	stream.linear.gather [hbm4b:s19+s4], $0x80, $0x38;
	[tilespmem:$0x18A80] =	vst v63  }
.LBB2_2:
0x52: {  	[tilespmem:s28], [sflag:$0x4] =	stream.linear.gather [hbm4b:s17+s4], $0x80, $0x38;
	[tilespmem:$0x18A80] =	vst v63  }
0x53: {  	s17 =	smov.u32 s15  }
0x54: {  	p1 =	sne.s32 s15, $0x780;
	s15 =	sadd.s32 $0x20, s15;
	_ =	swait.ge [sflag:s29], $0x80  }
0x55: {  	[sflag:s29] =	ssyncset.done $0x0  }
0x56: {  	[sflag:s29] =	ssyncadd.s32 $0xFFFFFF80  }
0x57: {  	[tilespmem:s31], [sflag:$0x5] =	stream.indirect.gather [hbm4b:s6+s30], $0x80, s4, s30, $0xb8;
	[tilespmem:$0x18A80] =	vst v63  }
0x58: {  	_ =	swait.ge [sflag:s0], $0x80  }
0x59: {  	[sflag:s0] =	ssyncset.done $0x0  }
0x5a: {  	[sflag:s0] =	ssyncadd.s32 $0xFFFFFF80  }
0x5b: {  	[tilespmem:s5], [sflag:$0x6] =	stream.indirect.gather [hbm4b:s6+s30], $0x80, s26, s30, $0xb8;
	[tilespmem:$0x18A80] =	vst v63  }
0x5c: {  	_ =	swait.ge [sflag:s7], $0x80  }
0x5d: {  	[sflag:s7] =	ssyncset.done $0x0  }
0x5e: {  	[sflag:s7] =	ssyncadd.s32 $0xFFFFFF80  }
0x5f: {  	_ =	swait.ge [sflag:s8], $0x2800  }
0x60: {  	[sflag:s8] =	ssyncset.done $0x0  }
0x61: {  	[sflag:s8] =	ssyncadd.s32 $0xFFFFD800  }
0x62: {  	[spmem:s3] =	stream.indirect.scatter.add.f32 [tilespmem:s31], [sflag:$0x7], $0x80, s25, s30, $0xb8;
	[tilespmem:$0x18A80] =	vst v63  }
0x63: {  	_ =	swait.ge [sflag:s24], $0x2800  }
0x64: {  	s18 =	sshrl.u32 s16, $0x3;
	[sflag:s24] =	ssyncset.done $0x0  }
0x65: {  	s19 =	sadd.s32 s1, s18;
	[sflag:s24] =	ssyncadd.s32 $0xFFFFD800  }
0x66: {  	[tilespmem:s4], [sflag:$0x1] =	stream.linear.gather [hbm4b:s19+s4], $0x80, $0x38;
	[tilespmem:$0x18A80] =	vst v63  }
0x67: {  	s18 =	sadd.s32 s2, s18  }
0x68: {  	[tilespmem:s25], [sflag:$0x3] =	stream.linear.gather [hbm4b:s18+s4], $0x80, $0x38;
	[tilespmem:$0x18A80] =	vst v63  }
0x69: {  	_ =	swait.ge [sflag:s10], $0x80  }
0x6a: {  	[sflag:s10] =	ssyncset.done $0x0  }
0x6b: {  	[sflag:s10] =	ssyncadd.s32 $0xFFFFFF80  }
0x6c: {  	_ =	swait.ge [sflag:s11], $0x2800  }
0x6d: {  	[sflag:s11] =	ssyncset.done $0x0  }
0x6e: {  	[sflag:s11] =	ssyncadd.s32 $0xFFFFD800  }
0x6f: {  	[spmem:s3] =	stream.indirect.scatter.add.f32 [tilespmem:s5], [sflag:$0x7], $0x80, s28, s30, $0xb8;
	[tilespmem:$0x18A80] =	vst v63  }
.Ltmp0:
0x70: {  	_ =	swait.ge [sflag:s24], $0x2800;
	(pc) =	sbr.rel @p1 .LBB2_2-.Ltmp0, $4  }
0x71: {  	[sflag:s24] =	ssyncset.done $0x0  }
0x72: {  	s18 =	sadd.s32 s17, s22;
	[sflag:s24] =	ssyncadd.s32 $0xFFFFD800  }
0x73: {  	[tilespmem:s26], [sflag:$0x2] =	stream.linear.gather [hbm4b:s18+s4], $0x80, $0x38;
	[tilespmem:$0x18A80] =	vst v63  }
0x74: {  	s16 =	sadd.s32 $0x100, s16;
	s17 =	sadd.s32 s17, s21  }
0x75: {  	[tilespmem:s28], [sflag:$0x4] =	stream.linear.gather [hbm4b:s17+s4], $0x80, $0x38;
	[tilespmem:$0x18A80] =	vst v63  }
0x76: {  	_ =	swait.ge [sflag:s29], $0x80  }
0x77: {  	[sflag:s29] =	ssyncset.done $0x0  }
0x78: {  	[sflag:s29] =	ssyncadd.s32 $0xFFFFFF80  }
0x79: {  	[tilespmem:s31], [sflag:$0x5] =	stream.indirect.gather [hbm4b:s6+s30], $0x80, s4, s30, $0xb8;
	[tilespmem:$0x18A80] =	vst v63  }
0x7a: {  	_ =	swait.ge [sflag:s0], $0x80  }
0x7b: {  	[sflag:s0] =	ssyncset.done $0x0  }
0x7c: {  	[sflag:s0] =	ssyncadd.s32 $0xFFFFFF80  }
0x7d: {  	[tilespmem:s5], [sflag:$0x6] =	stream.indirect.gather [hbm4b:s6+s30], $0x80, s26, s30, $0xb8;
	[tilespmem:$0x18A80] =	vst v63  }
0x7e: {  	_ =	swait.ge [sflag:s7], $0x80  }
0x7f: {  	[sflag:s7] =	ssyncset.done $0x0  }
0x80: {  	[sflag:s7] =	ssyncadd.s32 $0xFFFFFF80  }
0x81: {  	_ =	swait.ge [sflag:s8], $0x2800  }
0x82: {  	[sflag:s8] =	ssyncset.done $0x0  }
0x83: {  	[sflag:s8] =	ssyncadd.s32 $0xFFFFD800  }
0x84: {  	[spmem:s3] =	stream.indirect.scatter.add.f32 [tilespmem:s31], [sflag:$0x7], $0x80, s25, s30, $0xb8;
	[tilespmem:$0x18A80] =	vst v63  }
0x85: {  	_ =	swait.ge [sflag:s24], $0x2800  }
0x86: {  	[sflag:s24] =	ssyncset.done $0x0  }
0x87: {  	s15 =	rddreg [dreg:$0x10];
	[sflag:s24] =	ssyncadd.s32 $0xFFFFD800  }
0x88: {  	[tilespmem:s4], [sflag:$0x1] =	stream.linear.gather [hbm4b:s15+s4], $0x80, $0x38;
	[tilespmem:$0x18A80] =	vst v63  }
0x89: {  	_ = 	snop  }
0x8a: {  	[tilespmem:s25], [sflag:$0x3] =	stream.linear.gather [hbm4b:s20+s4], $0x80, $0x38;
	[tilespmem:$0x18A80] =	vst v63  }
0x8b: {  	_ =	swait.ge [sflag:s10], $0x80  }
0x8c: {  	[sflag:s10] =	ssyncset.done $0x0  }
0x8d: {  	[sflag:s10] =	ssyncadd.s32 $0xFFFFFF80  }
0x8e: {  	_ =	swait.ge [sflag:s11], $0x2800  }
0x8f: {  	[sflag:s11] =	ssyncset.done $0x0  }
0x90: {  	[sflag:s11] =	ssyncadd.s32 $0xFFFFD800  }
0x91: {  	[spmem:s3] =	stream.indirect.scatter.add.f32 [tilespmem:s5], [sflag:$0x7], $0x80, s28, s30, $0xb8;
	[tilespmem:$0x18A80] =	vst v63  }
0x92: {  	_ =	swait.ge [sflag:s24], $0x2800  }
0x93: {  	[sflag:s24] =	ssyncset.done $0x0  }
0x94: {  	[sflag:s24] =	ssyncadd.s32 $0xFFFFD800  }
0x95: {  	_ =	swait.ge [sflag:s29], $0x80  }
0x96: {  	[sflag:s29] =	ssyncset.done $0x0  }
0x97: {  	[sflag:s29] =	ssyncadd.s32 $0xFFFFFF80  }
0x98: {  	_ =	swait.ge [sflag:s7], $0x80  }
0x99: {  	[sflag:s7] =	ssyncset.done $0x0  }
0x9a: {  	[sflag:s7] =	ssyncadd.s32 $0xFFFFFF80  }
0x9b: {  	[tilespmem:s31], [sflag:$0x5] =	stream.indirect.gather [hbm4b:s6+s30], $0x80, s4, s30, $0xb8;
	[tilespmem:$0x18A80] =	vst v63  }
0x9c: {  	_ =	swait.ge [sflag:s8], $0x2800  }
0x9d: {  	[sflag:s8] =	ssyncset.done $0x0  }
0x9e: {  	[sflag:s8] =	ssyncadd.s32 $0xFFFFD800  }
0x9f: {  	[spmem:s3] =	stream.indirect.scatter.add.f32 [tilespmem:s31], [sflag:$0x7], $0x80, s25, s30, $0xb8;
	[tilespmem:$0x18A80] =	vst v63  }
0xa0: {  	_ =	swait.ge [sflag:s24], $0x2800  }
0xa1: {  	[sflag:s24] =	ssyncset.done $0x0  }
0xa2: {  	[sflag:s24] =	ssyncadd.s32 $0xFFFFD800  }
0xa3: {  	[bflag:$0x0] =	sbarrier.arrive $0xFFFF  }
0xa4: {  	s18 =	rddreg [dreg:$0xd]  }
0xa5: {  	[hbm:s18], [sflag:s9] =	dma.local [spmem:s13], $0x2700  }
0xa6: {  	_ =	swait.ge [sflag:s24], $0x2700  }
0xa7: {  	[sflag:s24] =	ssyncset.done $0x0  }
0xa8: {  	s13 =	rddreg [dreg:$0xe];
	[sflag:s24] =	ssyncadd.s32 $0xFFFFD900  }
0xa9: {  	[hbm:s13], [sflag:s9] =	dma.local @!p0 [spmem:s14], $0x100  }
0xaa: {  	s13 =	simm.s32 @!p0 $0x7  }
0xab: {  	_ =	swait.ge @!p0 [sflag:s13], $0x100  }
0xac: {  	s12 =	sadd.s32 $0x1, s12;
	s19 =	rddreg [dreg:$0xf]  }
0xad: {  	p1 =	sne.s32 s12, s19  }
.Ltmp1:
0xae: {  	_ = 	snop;
	(pc) =	sbr.rel @p1 .LBB2_1-.Ltmp1, $3  }
0xaf: {  	_ =	sdelay $0x1  }
0xb0: {  	[sflag:s13] =	ssyncset.done @!p0 $0x0  }
0xb1: {  	[sflag:s13] =	ssyncadd.s32 @!p0 $0xFFFFFF00  }
0xb2: {  	_ =	sfence.sel $0x180000  }
0xb3: {  	[bflag:$0x0] =	sbarrier.arrive $0xFFFF  }
0xb4: {  	_ =	strace $0x9000004D  }
0xb5: {  	s0 =	stileid.u32;
	[bflag:$0x2] =	sbarrier.arrive $0xFFFF  }
0xb6: {  	p0 =	sne.s32 s0, $0x0;
	s0 =	rddreg [dreg:$0x4]  }
0xb7: {  	s0 =	sadd.s32 @!p0 $0x100000, s0  }
0xb8: {  	[sflag:s0] =	ssyncadd.tile.s32 @!p0 $0x1;
	_ =	shalt  }
.Lfunc_end2:
_tile_overlayer_lowered:
.L_overlay_start_2:
0xb9: {  	(tag) =	ssettag $0x2  }
0xba: {  	s0 =	rddreg [dreg:$0x0];
	s2 =	stileid.u32  }
0xbb: {  	s1 =	rddreg [dreg:$0x1];
	p0 =	sne.s32 s2, $0x0  }
0xbc: {  	s3 =	rddreg [dreg:$0x2];
	[bflag:$0x3] =	sbarrier.arrive $0xFFFF;
	s2 =	simm.s32 @!p0 $0x1C07  }
0xbd: {  	[timem:s3], [sflag:s2] =	dma.local @!p0 [hbm:s0], s1  }
0xbe: {  	s0 =	simm.s32 @!p0 $0x7  }
0xbf: {  	_ =	swait.ge @!p0 [sflag:s0], s1  }
0xc0: {  	s1 =	ssub.s32 @!p0 $0x0, s1;
	[sflag:s0] =	ssyncset.done @!p0 $0x0  }
0xc1: {  	[sflag:s0] =	ssyncadd.s32 @!p0 s1  }
0xc2: {  	[bflag:$0x3] =	sbarrier.arrive $0xFFFF  }
0xc3: {  	_ =	shalt  }

// kernel: kernel.8.cloned.1.call-start
scs
__scs_entry_jumppad:
0x0: {  	(pc) =	sbr.rel $0x88, $3  }
0x1: {  	(tag) =	ssettag $0x0;
	lr =	simm.s32 $0x1  }
0x2: {  	[smem:$0x3F99] =	sst lr;
	_ =	strace $0xD0000000  }
0x3: {  	_ = 	snop  }
0x4: {  	_ = 	snop  }
0x5: {  	_ = 	snop  }
0x6: {  	_ = 	snop  }
0x7: {  	_ = 	snop  }
__scs_overlays_trampoline_lowered:
0x8: {  	[smem:$0x3FA8] =	sst s0  }
0x9: {  	[smem:$0x3FA9] =	sst s1  }
0xa: {  	[smem:$0x3FAA] =	sst s2  }
0xb: {  	[smem:$0x3FAB] =	sst s3  }
0xc: {  	[smem:$0x3FAC] =	sst s4  }
0xd: {  	[smem:$0x3FAD] =	sst s5  }
0xe: {  	[smem:$0x3FAE] =	sst s6  }
0xf: {  	[smem:$0x3FAF] =	sst s7  }
0x10: {  	[smem:$0x3FB0] =	sst s8  }
0x11: {  	[smem:$0x3FB1] =	sst s9;
	s0 =	simm.s32 @!p0 $0x0  }
0x12: {  	s1 =	sld [smem:$0x3F97];
	s0 =	simm.s32 @p0 $0x1  }
0x13: {  	[smem:$0x3FB2] =	sst s0;
	s0 =	simm.s32 @!p1 $0x0  }
0x14: {  	s2 =	sld [smem:$0x3F96];
	s0 =	simm.s32 @p1 $0x1  }
0x15: {  	[smem:$0x3FB3] =	sst s0;
	s0 =	simm.s32 @!p2 $0x0  }
0x16: {  	s3 =	sld [smem:$0x3FDB];
	s0 =	simm.s32 @p2 $0x1  }
0x17: {  	s4 =	simm.s32 $0x1BF5;
	[smem:$0x3FB5] =	sst s0  }
0x18: {  	s0 =	sld [smem:$0x3F98];
	_ =	swait.ge [sflag:s4], $0x0  }
0x19: {  	s7 =	sld [smem:$0x3F99]  }
0x1a: {  	s8 =	sadd.s32 $0xFFFFE003, lr  }
0x1b: {  	s9 =	sadd.s32 $0xFFFFFEF7, lr;
	s5 =	simm.s32 $0xFFFFFFFF;
	p2 =	slt.u32 s8, $0xFFFFF086  }
0x1c: {  	p1 =	slt.u32 s9, $0xF7A;
	s5 =	simm.s32 @!p2 $0x0  }
0x1d: {  	s5 =	simm.s32 @p1 $0x1;
	p0 =	seq.s32 s7, s2  }
0x1e: {  	s7 =	smul.u32 @!p0 $0xF7A, s2;
	p2 =	seq.s32 @!p0 s5, $0x0  }
0x1f: {  	s9 =	smul.u32 $0xF7A, s1;
	s8 =	simm.s32 @!p0 $0x1BF5;
	p2 =	por !p2, p0  }
0x20: {  	[sflag:s8] =	ssyncset.s32 @!p0 $0xFFFFF086;
	s6 =	sadd.s32 @!p0 s3, s7;
	s7 =	simm.s32 @!p0 $0x108  }
0x21: {  	s3 =	sadd.s32 s3, s9;
	s6 =	sadd.s32 @!p0 $0x88, s6;
	s7 =	simm.s32 @p2 $0x1082  }
0x22: {  	[simem:s7], [sflag:s8] =	dma.local @!p0 [hbm:s6], $0xF7A  }
0x23: {  	s9 =	sor.u32 $0xD0000000, s2;
	s6 =	simm.s32 $0x108;
	_ =	swait.ge @!p0 [sflag:s8], $0x0  }
0x24: {  	s3 =	sadd.s32 $0x88, s3;
	s6 =	simm.s32 @!p1 $0x1082;
	[sflag:s4] =	ssyncset.s32 $0xFFFFF086  }
0x25: {  	[simem:s6], [sflag:s4] =	dma.local [hbm:s3], $0xF7A  }
0x26: {  	[smem:$0x3F99] =	sst s1;
	(tag) =	ssettag s2;
	_ =	strace s9  }
0x27: {  	s1 =	sld [smem:$0x3FA9]  }
0x28: {  	s2 =	sld [smem:$0x3FAA]  }
0x29: {  	s4 =	sld [smem:$0x3FAC]  }
0x2a: {  	p0 =	seq.s32 s5, $0x0;
	s5 =	sld [smem:$0x3FAD]  }
0x2b: {  	s6 =	sld [smem:$0x3FAE]  }
0x2c: {  	s7 =	sld [smem:$0x3FAF]  }
0x2d: {  	s3 =	simm.s32 $0x108;
	s8 =	sld [smem:$0x3FB0]  }
0x2e: {  	s3 =	simm.s32 @!p0 $0x1082;
	s9 =	sld [smem:$0x3FB1]  }
0x2f: {  	lr =	sadd.s32 s0, s3;
	s0 =	sld [smem:$0x3FA8]  }
0x30: {  	s3 =	sld [smem:$0x3FAB]  }
0x31: {  	[smem:$0x3FB4] =	sst s10  }
0x32: {  	s10 =	sld [smem:$0x3FB2];
	_ =	sdelay $0x3  }
0x33: {  	p0 =	seq.s32 s10, $0x1;
	s10 =	sld [smem:$0x3FB4];
	_ =	sdelay $0x3  }
0x34: {  	[smem:$0x3FB4] =	sst s10  }
0x35: {  	s10 =	sld [smem:$0x3FB3];
	_ =	sdelay $0x3  }
0x36: {  	p1 =	seq.s32 s10, $0x1;
	s10 =	sld [smem:$0x3FB4];
	_ =	sdelay $0x3  }
0x37: {  	[smem:$0x3FB4] =	sst s10  }
0x38: {  	s10 =	sld [smem:$0x3FB5]  }
0x39: {  	_ = 	snop;
	(pc) =	sbr.ind lr, $3  }
0x3a: {  	_ = 	snop  }
0x3b: {  	_ = 	snop  }
0x3c: {  	p2 =	seq.s32 s10, $0x1;
	s10 =	sld [smem:$0x3FB4]  }
0x3d: {  	_ =	shalt  }
0x3e: {  	_ =	shalt  }
0x3f: {  	_ =	shalt  }
0x40: {  	_ =	shalt  }
0x41: {  	_ =	shalt  }
0x42: {  	_ =	shalt  }
0x43: {  	_ =	shalt  }
0x44: {  	_ =	shalt  }
0x45: {  	_ =	shalt  }
0x46: {  	_ =	shalt  }
0x47: {  	_ =	shalt  }
0x48: {  	_ =	shalt  }
0x49: {  	_ =	shalt  }
0x4a: {  	_ =	shalt  }
0x4b: {  	_ =	shalt  }
0x4c: {  	_ =	shalt  }
0x4d: {  	_ =	shalt  }
0x4e: {  	_ =	shalt  }
0x4f: {  	_ =	shalt  }
0x50: {  	_ =	shalt  }
0x51: {  	_ =	shalt  }
0x52: {  	_ =	shalt  }
0x53: {  	_ =	shalt  }
0x54: {  	_ =	shalt  }
0x55: {  	_ =	shalt  }
0x56: {  	_ =	shalt  }
0x57: {  	_ =	shalt  }
0x58: {  	_ =	shalt  }
0x59: {  	_ =	shalt  }
0x5a: {  	_ =	shalt  }
0x5b: {  	_ =	shalt  }
0x5c: {  	_ =	shalt  }
0x5d: {  	_ =	shalt  }
0x5e: {  	_ =	shalt  }
0x5f: {  	_ =	shalt  }
0x60: {  	_ =	shalt  }
0x61: {  	_ =	shalt  }
0x62: {  	_ =	shalt  }
0x63: {  	_ =	shalt  }
0x64: {  	_ =	shalt  }
0x65: {  	_ =	shalt  }
0x66: {  	_ =	shalt  }
0x67: {  	_ =	shalt  }
0x68: {  	_ =	shalt  }
0x69: {  	_ =	shalt  }
0x6a: {  	_ =	shalt  }
0x6b: {  	_ =	shalt  }
0x6c: {  	_ =	shalt  }
0x6d: {  	_ =	shalt  }
0x6e: {  	_ =	shalt  }
0x6f: {  	_ =	shalt  }
0x70: {  	_ =	shalt  }
0x71: {  	_ =	shalt  }
0x72: {  	_ =	shalt  }
0x73: {  	_ =	shalt  }
0x74: {  	_ =	shalt  }
0x75: {  	_ =	shalt  }
0x76: {  	_ =	shalt  }
0x77: {  	_ =	shalt  }
0x78: {  	_ =	shalt  }
0x79: {  	_ =	shalt  }
0x7a: {  	_ =	shalt  }
0x7b: {  	_ =	shalt  }
0x7c: {  	_ =	shalt  }
0x7d: {  	_ =	shalt  }
0x7e: {  	_ =	shalt  }
0x7f: {  	_ =	shalt  }
0x80: {  	_ =	shalt  }
0x81: {  	_ =	shalt  }
0x82: {  	_ =	shalt  }
0x83: {  	_ =	shalt  }
0x84: {  	_ =	shalt  }
0x85: {  	_ =	shalt  }
0x86: {  	_ =	shalt  }
0x87: {  	_ =	shalt  }
.Lfunc_end0:
.L_simem_size_0:
called_computation_lowered:
.L_overlay_start_0:
0x88: {  	s2 =	sld [smem:$0x3FD9]  }
0x89: {  	s3 =	sld [smem:$0x3FFE];
	_ =	sdelay $0x1  }
0x8a: {  	s1 =	srdreg.scid  }
0x8b: {  	s0 =	sand.u32 $0x1, s1  }
0x8c: {  	s14 =	sshll.u32 s0, $0xA;
	s2 =	sadd.s32 s3, s2  }
0x8d: {  	s2 =	sadd.s32 s2, s14  }
0x8e: {  	[smem:$0x3FC0] =	sst s2  }
0x8f: {  	_ = 	snop  }
0x90: {  	s2 =	sld [smem:$0x3FD0];
	_ =	sdelay $0x2  }
0x91: {  	s15 =	simm.s32 $0xA;
	s4 =	simm.s32 $0x10  }
0x92: {  	[smem:s4], [sflag:s15] =	dma.local [hbm:s2], $0x1  }
0x93: {  	_ =	swait.eq [sflag:s15], $0x1  }
0x94: {  	[sflag:s15] =	ssyncset.done $0x0  }
0x95: {  	[sflag:s15] =	ssyncadd.s32 $0xFFFFFFFF  }
0x96: {  	s16 =	sld [smem:$0x11];
	(tm) =	ssettm $0x1  }
0x97: {  	s17 =	sld [smem:$0x3FFB];
	_ =	sdelay $0x3  }
0x98: {  	_ =	strace s17  }
0x99: {  	s3 =	sld [smem:$0x3FFC];
	_ =	sdelay $0x3  }
0x9a: {  	_ =	strace s3  }
0x9b: {  	s3 =	sld [smem:$0x3FFD];
	_ =	sdelay $0x3  }
0x9c: {  	_ =	strace s3  }
0x9d: {  	_ =	strace $0x8FFFFFFF  }
0x9e: {  	s18 =	sld [smem:$0x3FDB];
	_ =	sdelay $0x1  }
0x9f: {  	s19 =	simm.s32 $_scs_section_size  }
0xa0: {  	s5 =	simm.s32 $_size__tile_overlayer_lowered;
	s6 =	simm.s32 $_tile_overlayer_lowered  }
0xa1: {  	s22 =	simm.s32 $0x1BFF;
	s21 =	sshll.u32 s6, $0x1;
	s3 =	sadd.s32 s19, s18  }
0xa2: {  	s7 =	simm.s32 $0x0;
	s20 =	sshll.u32 s5, $0x1;
	s5 =	sadd.s32 s21, s3  }
0xa3: {  	[timem:s7], [sflag:s22] =	dma.local [hbm:s5], s20  }
0xa4: {  	_ =	swait.ge [sflag:s22], s20  }
0xa5: {  	s4 =	ssub.s32 $0x0, s20;
	[sflag:s22] =	ssyncset.done $0x0  }
0xa6: {  	[sflag:s22] =	ssyncadd.s32 s4;
	_ =	sdelay $0x1  }
0xa7: {  	s23 =	simm.s32 $0x1B8B  }
0xa8: {  	_ =	swait.ge [sflag:s23], $0x1  }
0xa9: {  	[sflag:s23] =	ssyncset.done $0x0  }
0xaa: {  	s25 =	simm.s32 $0x1B8E;
	s24 =	sld [smem:$0x3FFE];
	[sflag:s23] =	ssyncadd.s32 $0xFFFFFFFF  }
0xab: {  	s26 =	simm.s32 $execute0_lowered;
	[smem:$0x3FD2] =	sst s25  }
0xac: {  	s5 =	sshll.u32 s26, $0x1;
	_ =	strace $0x80000046;
	[dreg:$0x1] =	wrdreg $0xFFFFFFFF  }
0xad: {  	s28 =	simm.s32 $_size_execute0_lowered;
	s3 =	sadd.s32 s3, s5;
	[dreg:$0x0] =	wrdreg $0x0  }
0xae: {  	s5 =	sshll.u32 s28, $0x1;
	[dreg:$0x2] =	wrdreg s3  }
0xaf: {  	[dreg:$0x3] =	wrdreg s5  }
0xb0: {  	[dreg:$0x4] =	wrdreg $0xC0  }
0xb1: {  	_ =	task [dreg:s7], $0x5FFFF  }
0xb2: {  	[dreg:$0x1] =	wrdreg $0xFFFFFFFF  }
0xb3: {  	[dreg:$0x0] =	wrdreg $0x60  }
0xb4: {  	[dreg:$0x2] =	wrdreg s16  }
0xb5: {  	[dreg:$0x3] =	wrdreg s24  }
0xb6: {  	[dreg:$0x4] =	wrdreg $0x29000  }
0xb7: {  	[dreg:$0x5] =	wrdreg $0x9  }
0xb8: {  	_ =	task.clear_ibuf [dreg:s7], $0x6FFFF;
	_ =	strace $0x90000046  }
0xb9: {  	s29 =	simm.s32 $0x9;
	_ =	strace $0x80000048  }
0xba: {  	_ =	swait.ge [sflag:s29], $0x1  }
0xbb: {  	[sflag:s29] =	ssyncadd.s32 $0xFFFFFFFF  }
0xbc: {  	_ =	strace $0x90000048  }
0xbd: {  	_ =	sfence  }
0xbe: {  	s30 =	sld [smem:$0x0];
	_ =	sdelay $0x2  }
0xbf: {  	s31 =	sshll.u32 s1, $0xD;
	s1 =	sshrl.u32 s1, $0x2  }
0xc0: {  	s3 =	sand.u32 $0x4000, s31;
	s1 =	sadd.s32 s1, s30  }
0xc1: {  	s0 =	sor.u32 s3, s0;
	s1 =	sshll.u32 s1, $0x11  }
0xc2: {  	s0 =	sor.u32 s1, s0  }
0xc3: {  	s0 =	sadd.s32 $0x8F2B, s0  }
0xc4: {  	[sflag:s0] =	ssyncadd.remote.s32 $0x1  }
0xc5: {  	_ =	sfence.sel $0xFFFF  }
0xc6: {  	[dreg:$0x0] =	wrdreg $0xFFFFFFFF;
	(pc) =	sbr.abs _section_cstart, $3  }
0xc7: {  	[dreg:$0x1] =	wrdreg $0xFFFFFFFF  }
0xc8: {  	_ =	task.clear_ibuf [dreg:s7], $0x2FFFF;
	_ =	strace $0x9FFFFFFF  }
0xc9: {  	(tm) =	ssettm $0x7FFFFFFF  }
tec
execute0_lowered:
.L_overlay_start_1:
0x0: {  	(tag) =	ssettag $0x1  }
0x1: {  	s1 =	rddreg [dreg:$0x0]  }
0x2: {  	s8 =	rddreg [dreg:$0x1]  }
0x3: {  	s2 =	rddreg [dreg:$0x2]  }
0x4: {  	s0 =	rddreg [dreg:$0x3];
	s4 =	simm.s32 $0x0;
	s5 =	srdreg.scid  }
0x5: {  	s3 =	stileid.u32;
	s18 =	simm.s32 $0x3;
	s20 =	simm.s32 $0x100  }
0x6: {  	s21 =	simm.s32 $0x80;
	s22 =	simm.s32 $0x1;
	s23 =	simm.s32 $0x50  }
0x7: {  	s24 =	simm.s32 $0x2;
	[smem:$0x7FF] =	sst s4;
	s9 =	sand.u32 $0x1, s5  }
0x8: {  	s7 =	smul.u32 $0x4E000, s3;
	s5 =	sadd.s32 $0x3400, s8;
	s11 =	sadd.s32 $0x2A600, s8  }
0x9: {  	s13 =	smul.u32 $0x13800, s3;
	s28 =	sshll.u32 s3, $0x6;
	s19 =	sadd.s32 $0x138000, s2  }
0xa: {  	s8 =	sadd.s32 $0x2A400, s8;
	s16 =	smul.u32 $0x3E80, s3;
	p0 =	sne.s32 s3, $0xF  }
0xb: {  	_ =	strace $0x80000047;
	s6 =	ssub.s32 $0x2, s9;
	s15 =	smul.u32 $0x138800, s9  }
0xc: {  	s12 =	sshll.u32 s9, $0x4;
	s30 =	smul.u32 $0x3E800, s9;
	s19 =	sshrl.u32 @!p0 s19, $0x3  }
0xd: {  	s10 =	sshrl.u32 s6, $0x1;
	s7 =	sshrl.u32 s7, $0x2;
	s25 =	sor.u32 s3, s12  }
0xe: {  	s26 =	sshrl.u32 s13, $0x3;
	s14 =	ssub.s32 s6, s10;
	s17 =	sadd.s32 s7, s2  }
0xf: {  	s12 =	smul.u32 $0x3E80, s25;
	s6 =	sadd.s32 s5, s26;
	s7 =	sor.u32 $0x1C03, s28  }
0x10: {  	s13 =	sadd.s32 s13, s15;
	s15 =	sshrl.u32 s15, $0x3;
	s16 =	sadd.s32 s16, s30  }
0x11: {  	s25 =	simm.s32 $0x0;
	s13 =	sshrl.u32 s13, $0x3;
	s15 =	sadd.s32 s11, s15  }
0x12: {  	s31 =	sadd.s32 $0x180, s16;
	s16 =	sadd.s32 $0x100, s16;
	s17 =	sshrl.u32 s17, $0x3  }
0x13: {  	s29 =	sshrl.u32 s12, $0x3;
	s11 =	sadd.s32 s11, s13;
	s12 =	sadd.s32 $0x27000, s15  }
0x14: {  	s13 =	smax.u32 s14, $0x1;
	s15 =	sshrl.u32 s31, $0x3;
	s9 =	sadd.s32 s1, s29  }
0x15: {  	s15 =	sadd.s32 s15, s1;
	s10 =	sadd.s32 $0x10, s9;
	s14 =	sadd.s32 $0x7C0, s9  }
.LBB2_1:
0x16: {  	[spmem:s17], [sflag:s7] =	dma.local [hbm:s6], $0x2700  }
0x17: {  	_ =	swait.ge [sflag:s18], $0x2700  }
0x18: {  	[sflag:s18] =	ssyncset.done $0x0  }
0x19: {  	s26 =	simm.s32 @!p0 $0x3;
	[sflag:s18] =	ssyncadd.s32 $0xFFFFD900  }
0x1a: {  	[spmem:s19], [sflag:s7] =	dma.local @!p0 [hbm:s8], $0x100  }
0x1b: {  	_ =	swait.ge @!p0 [sflag:s26], $0x100  }
0x1c: {  	[sflag:s26] =	ssyncset.done @!p0 $0x0  }
0x1d: {  	[sflag:s26] =	ssyncadd.s32 @!p0 $0xFFFFFF00  }
0x1e: {  	[tilespmem:s20], [sflag:$0x3] =	stream.linear.gather [hbm4b:s5+s4], $0x2800, $0x38;
	[tilespmem:$0x16180] =	vst v63  }
0x1f: {  	_ =	swait.ge [sflag:s18], $0x2800  }
0x20: {  	[sflag:s18] =	ssyncset.done $0x0  }
0x21: {  	[sflag:s18] =	ssyncadd.s32 $0xFFFFD800  }
0x22: {  	[bflag:$0x0] =	sbarrier.arrive $0xFFFF  }
0x23: {  	[tilespmem:s4], [sflag:$0x1] =	stream.linear.gather [hbm4b:s9+s4], $0x80, $0x38;
	[tilespmem:$0x16180] =	vst v63  }
0x24: {  	_ = 	snop  }
0x25: {  	[tilespmem:s21], [sflag:$0x2] =	stream.linear.gather [hbm4b:s10+s4], $0x80, $0x38;
	[tilespmem:$0x16180] =	vst v63  }
0x26: {  	_ =	swait.ge [sflag:s22], $0x80  }
0x27: {  	[sflag:s22] =	ssyncset.done $0x0  }
0x28: {  	[sflag:s22] =	ssyncadd.s32 $0xFFFFFF80  }
0x29: {  	[spmem:s2] =	stream.indirect.scatter.add.f32 [tilespmem:s20], [sflag:$0x3], $0x80, s4, s23, $0xb8;
	[tilespmem:$0x16180] =	vst v63  }
0x2a: {  	_ =	swait.ge [sflag:s18], $0x2800  }
0x2b: {  	s31 =	sshrl.u32 s16, $0x3;
	[sflag:s18] =	ssyncset.done $0x0  }
0x2c: {  	s26 =	sadd.s32 s1, s31;
	[sflag:s18] =	ssyncadd.s32 $0xFFFFD800  }
0x2d: {  	[tilespmem:s4], [sflag:$0x1] =	stream.linear.gather [hbm4b:s26+s4], $0x80, $0x38;
	[tilespmem:$0x16180] =	vst v63  }
0x2e: {  	_ =	swait.ge [sflag:s24], $0x80  }
0x2f: {  	[sflag:s24] =	ssyncset.done $0x0  }
0x30: {  	[sflag:s24] =	ssyncadd.s32 $0xFFFFFF80  }
0x31: {  	[spmem:s2] =	stream.indirect.scatter.add.f32 [tilespmem:s20], [sflag:$0x3], $0x80, s21, s23, $0xb8;
	[tilespmem:$0x16180] =	vst v63  }
0x32: {  	_ =	swait.ge [sflag:s18], $0x2800  }
0x33: {  	s29 =	sadd.s32 $0x0, s15;
	[sflag:s18] =	ssyncset.done $0x0  }
0x34: {  	s28 =	sadd.s32 $0x100, s16;
	s26 =	simm.s32 $0x20;
	[sflag:s18] =	ssyncadd.s32 $0xFFFFD800  }
.LBB2_2:
0x35: {  	[tilespmem:s21], [sflag:$0x2] =	stream.linear.gather [hbm4b:s29+s4], $0x80, $0x38;
	[tilespmem:$0x16180] =	vst v63  }
0x36: {  	s29 =	smov.u32 s26  }
0x37: {  	p1 =	sne.s32 s26, $0x780;
	s26 =	sadd.s32 $0x20, s26;
	_ =	swait.ge [sflag:s22], $0x80  }
0x38: {  	[sflag:s22] =	ssyncset.done $0x0  }
0x39: {  	[sflag:s22] =	ssyncadd.s32 $0xFFFFFF80  }
0x3a: {  	[spmem:s2] =	stream.indirect.scatter.add.f32 [tilespmem:s20], [sflag:$0x3], $0x80, s4, s23, $0xb8;
	[tilespmem:$0x16180] =	vst v63  }
0x3b: {  	_ =	swait.ge [sflag:s18], $0x2800  }
0x3c: {  	s30 =	sshrl.u32 s28, $0x3;
	[sflag:s18] =	ssyncset.done $0x0  }
0x3d: {  	s30 =	sadd.s32 s1, s30;
	[sflag:s18] =	ssyncadd.s32 $0xFFFFD800  }
0x3e: {  	[tilespmem:s4], [sflag:$0x1] =	stream.linear.gather [hbm4b:s30+s4], $0x80, $0x38;
	[tilespmem:$0x16180] =	vst v63  }
0x3f: {  	_ =	swait.ge [sflag:s24], $0x80  }
0x40: {  	[sflag:s24] =	ssyncset.done $0x0  }
.Ltmp0:
0x41: {  	[sflag:s24] =	ssyncadd.s32 $0xFFFFFF80;
	(pc) =	sbr.rel @p1 .LBB2_2-.Ltmp0, $4  }
0x42: {  	[spmem:s2] =	stream.indirect.scatter.add.f32 [tilespmem:s20], [sflag:$0x3], $0x80, s21, s23, $0xb8;
	[tilespmem:$0x16180] =	vst v63  }
0x43: {  	_ =	swait.ge [sflag:s18], $0x2800  }
0x44: {  	[sflag:s18] =	ssyncset.done $0x0  }
0x45: {  	s28 =	sadd.s32 $0x100, s28;
	s29 =	sadd.s32 s29, s15;
	[sflag:s18] =	ssyncadd.s32 $0xFFFFD800  }
0x46: {  	[tilespmem:s21], [sflag:$0x2] =	stream.linear.gather [hbm4b:s29+s4], $0x80, $0x38;
	[tilespmem:$0x16180] =	vst v63  }
0x47: {  	_ =	swait.ge [sflag:s22], $0x80  }
0x48: {  	[sflag:s22] =	ssyncset.done $0x0  }
0x49: {  	[sflag:s22] =	ssyncadd.s32 $0xFFFFFF80  }
0x4a: {  	[spmem:s2] =	stream.indirect.scatter.add.f32 [tilespmem:s20], [sflag:$0x3], $0x80, s4, s23, $0xb8;
	[tilespmem:$0x16180] =	vst v63  }
0x4b: {  	_ =	swait.ge [sflag:s18], $0x2800  }
0x4c: {  	[sflag:s18] =	ssyncset.done $0x0  }
0x4d: {  	[sflag:s18] =	ssyncadd.s32 $0xFFFFD800  }
0x4e: {  	[tilespmem:s4], [sflag:$0x1] =	stream.linear.gather [hbm4b:s14+s4], $0x80, $0x38;
	[tilespmem:$0x16180] =	vst v63  }
0x4f: {  	_ =	swait.ge [sflag:s24], $0x80  }
0x50: {  	[sflag:s24] =	ssyncset.done $0x0  }
0x51: {  	[sflag:s24] =	ssyncadd.s32 $0xFFFFFF80  }
0x52: {  	[spmem:s2] =	stream.indirect.scatter.add.f32 [tilespmem:s20], [sflag:$0x3], $0x80, s21, s23, $0xb8;
	[tilespmem:$0x16180] =	vst v63  }
0x53: {  	_ =	swait.ge [sflag:s18], $0x2800  }
0x54: {  	[sflag:s18] =	ssyncset.done $0x0  }
0x55: {  	[sflag:s18] =	ssyncadd.s32 $0xFFFFD800  }
0x56: {  	_ =	swait.ge [sflag:s22], $0x80  }
0x57: {  	[sflag:s22] =	ssyncset.done $0x0  }
0x58: {  	[sflag:s22] =	ssyncadd.s32 $0xFFFFFF80  }
0x59: {  	[spmem:s2] =	stream.indirect.scatter.add.f32 [tilespmem:s20], [sflag:$0x3], $0x80, s4, s23, $0xb8;
	[tilespmem:$0x16180] =	vst v63  }
0x5a: {  	_ =	swait.ge [sflag:s18], $0x2800  }
0x5b: {  	[sflag:s18] =	ssyncset.done $0x0  }
0x5c: {  	[sflag:s18] =	ssyncadd.s32 $0xFFFFD800  }
0x5d: {  	[bflag:$0x0] =	sbarrier.arrive $0xFFFF  }
0x5e: {  	[hbm:s11], [sflag:s7] =	dma.local [spmem:s17], $0x2700  }
0x5f: {  	s25 =	sadd.s32 $0x1, s25;
	_ =	swait.ge [sflag:s18], $0x2700  }
0x60: {  	p1 =	sne.s32 s25, s13;
	[sflag:s18] =	ssyncset.done $0x0  }
.Ltmp1:
0x61: {  	s26 =	simm.s32 @!p0 $0x3;
	[sflag:s18] =	ssyncadd.s32 $0xFFFFD900;
	(pc) =	sbr.rel @p1 .LBB2_1-.Ltmp1, $4  }
0x62: {  	[hbm:s12], [sflag:s7] =	dma.local @!p0 [spmem:s19], $0x100  }
0x63: {  	_ =	swait.ge @!p0 [sflag:s26], $0x100  }
0x64: {  	[sflag:s26] =	ssyncset.done @!p0 $0x0  }
0x65: {  	[sflag:s26] =	ssyncadd.s32 @!p0 $0xFFFFFF00  }
0x66: {  	_ =	sfence.sel $0x180000  }
0x67: {  	[bflag:$0x0] =	sbarrier.arrive $0xFFFF  }
0x68: {  	p0 =	sne.s32 s3, $0x0;
	_ =	strace $0x90000047  }
0x69: {  	s0 =	sadd.s32 @!p0 $0x100000, s0;
	[bflag:$0x2] =	sbarrier.arrive $0xFFFF  }
0x6a: {  	[sflag:s0] =	ssyncadd.tile.s32 @!p0 $0x1;
	_ =	shalt  }
.Lfunc_end2:
_tile_overlayer_lowered:
.L_overlay_start_2:
0x6b: {  	(tag) =	ssettag $0x2  }
0x6c: {  	s0 =	rddreg [dreg:$0x0];
	s2 =	stileid.u32  }
0x6d: {  	s1 =	rddreg [dreg:$0x1];
	p0 =	sne.s32 s2, $0x0  }
0x6e: {  	s3 =	rddreg [dreg:$0x2];
	[bflag:$0x3] =	sbarrier.arrive $0xFFFF;
	s2 =	simm.s32 @!p0 $0x1C03  }
0x6f: {  	[timem:s3], [sflag:s2] =	dma.local @!p0 [hbm:s0], s1  }
0x70: {  	s0 =	simm.s32 @!p0 $0x3  }
0x71: {  	_ =	swait.ge @!p0 [sflag:s0], s1  }
0x72: {  	s1 =	ssub.s32 @!p0 $0x0, s1;
	[sflag:s0] =	ssyncset.done @!p0 $0x0  }
0x73: {  	[sflag:s0] =	ssyncadd.s32 @!p0 s1  }
0x74: {  	[bflag:$0x3] =	sbarrier.arrive $0xFFFF  }
0x75: {  	_ =	shalt  }

</sc_bundles>
